<compile_context>
chip_gen: v7x
topology: tpu7x:2x2x1
jax: 0.10.2.dev20260603
libtpu: 0.0.44.dev20260713+nightly
codegen_flags: <defaults>
</compile_context>

<pallas_src>
import jax
import jax.numpy as jnp
from jax import lax
from jax.experimental import pallas as pl
from jax.experimental.pallas import tpu as pltpu
from jax.experimental.pallas import tpu_sc as plsc

L = 16
D = 32
B = 16384
NC = 2
NS = 16
NW = NC * NS
BPW = B // NW
WAVE = 2
WPT = BPW // WAVE
DEPTH = 7
WPG = L // WAVE


def _sc_body(uid_hbm, iid_hbm, ut_hbm, it_hbm, out_hbm,
             uidx_v, iidx_v, ubuf_v, ibuf_v, out_v, usem, isem):
    wid = lax.axis_index("s") * NC + lax.axis_index("c")
    base = wid * BPW

    pltpu.sync_copy(uid_hbm.at[pl.ds(base, BPW)], uidx_v)
    pltpu.sync_copy(iid_hbm.at[pl.ds(base, BPW)], iidx_v)

    iota = lax.iota(jnp.int32, L)

    def vecs(w):
        g = (w // WPG) * L
        return uidx_v[pl.ds(g, L)], iidx_v[pl.ds(g, L)]

    def extract(vec, l):
        return lax.reduce_max(jnp.where(iota == l, vec, 0), (0,))

    def fire(w):
        uvec, ivec = vecs(w)
        p = w % DEPTH
        for s in range(WAVE):
            l = (w % WPG) * WAVE + s
            for vec, tab, buf, sem in ((uvec, ut_hbm, ubuf_v, usem),
                                       (ivec, it_hbm, ibuf_v, isem)):
                sid = extract(vec, l)
                jb = pl.multiple_of((sid >> 7) << 7, 128)
                pltpu.async_copy(tab.at[:, pl.ds(jb, 128)], buf.at[p, s], sem)

    def wait_wave():
        for s in range(WAVE):
            pltpu.make_async_copy(ut_hbm.at[:, pl.ds(0, 128)],
                                  ubuf_v.at[0, s], usem).wait()
            pltpu.make_async_copy(it_hbm.at[:, pl.ds(0, 128)],
                                  ibuf_v.at[0, s], isem).wait()

    d_lo = iota
    d_hi = iota + L

    def compute(w):
        uvec, ivec = vecs(w)
        p = w % DEPTH
        pb = jnp.full((L,), 0, jnp.int32) + p
        for s in range(WAVE):
            l = (w % WPG) * WAVE + s
            sb = jnp.full((L,), s, jnp.int32)
            usid = extract(uvec, l)
            isid = extract(ivec, l)
            ulane = jnp.full((L,), 0, jnp.int32) + (usid & 127)
            ilane = jnp.full((L,), 0, jnp.int32) + (isid & 127)
            u_lo = plsc.load_gather(ubuf_v, [pb, sb, d_lo, ulane])
            u_hi = plsc.load_gather(ubuf_v, [pb, sb, d_hi, ulane])
            i_lo = plsc.load_gather(ibuf_v, [pb, sb, d_lo, ilane])
            i_hi = plsc.load_gather(ibuf_v, [pb, sb, d_hi, ilane])
            prod = u_lo * i_lo + u_hi * i_hi
            score = lax.reduce_sum(prod, (0,))
            k = jnp.full((L,), 0, jnp.int32) + (w * WAVE + s)
            plsc.store_scatter(out_v, [k],
                               jnp.full((L,), 0.0, jnp.float32) + score,
                               mask=iota == 0)

    for w0 in range(DEPTH - 1):
        fire(w0)

    def body(w, carry):
        @pl.when(w + DEPTH - 1 < WPT)
        def _():
            fire(w + DEPTH - 1)
        wait_wave()
        compute(w)
        return carry

    lax.fori_loop(0, WPT, body, 0)

    pltpu.sync_copy(out_v, out_hbm.at[pl.ds(base, BPW)])


@jax.jit
def _run(user_ids, item_ids, user_table_t, item_table_t):
    k = pl.kernel(
        _sc_body,
        out_type=jax.ShapeDtypeStruct((B,), jnp.float32),
        mesh=plsc.VectorSubcoreMesh(core_axis_name="c", subcore_axis_name="s"),
        compiler_params=pltpu.CompilerParams(needs_layout_passes=False),
        scratch_types=[
            pltpu.VMEM((BPW,), jnp.int32),
            pltpu.VMEM((BPW,), jnp.int32),
            pltpu.VMEM((DEPTH, WAVE, D, 128), jnp.float32),
            pltpu.VMEM((DEPTH, WAVE, D, 128), jnp.float32),
            pltpu.VMEM((BPW,), jnp.float32),
            pltpu.SemaphoreType.DMA,
            pltpu.SemaphoreType.DMA,
        ],
    )
    return k(user_ids, item_ids, user_table_t, item_table_t)


def kernel(user_ids, item_ids, user_table, item_table):
    return _run(user_ids, item_ids, user_table.T, item_table.T)

# --- scband reference (transcript-rebuilt; emitter-appended) ---
"""Pipeline reference for scband-matrix-factorization-67388036874659 (READ-ONLY COPY).

The authoritative reference and input builder live on the scoring server;
editing this copy changes nothing except your own understanding.
"""

import jax, jax.numpy as jnp
import numpy as np

NUM_USERS = 1000000
NUM_ITEMS = 1000000
EMBED_DIM = 32
BATCH = 16384

def setup_inputs(seed: int = 0) -> dict:
    key = jax.random.key(seed)
    k1, k2, k3, k4 = jax.random.split(key, 4)
    user_ids = jax.random.randint(k1, (BATCH,), 0, NUM_USERS, dtype=jnp.int64 if jax.config.jax_enable_x64 else jnp.int32).astype(jnp.int32)
    item_ids = jax.random.randint(k2, (BATCH,), 0, NUM_ITEMS, dtype=jnp.int64 if jax.config.jax_enable_x64 else jnp.int32).astype(jnp.int32)
    # xavier_normal for [N, D]: std = sqrt(2 / (N + D))
    std_u = float(np.sqrt(2.0 / (NUM_USERS + EMBED_DIM)))
    std_i = float(np.sqrt(2.0 / (NUM_ITEMS + EMBED_DIM)))
    user_table = jax.random.normal(k3, (NUM_USERS, EMBED_DIM), dtype=jnp.float32) * std_u
    item_table = jax.random.normal(k4, (NUM_ITEMS, EMBED_DIM), dtype=jnp.float32) * std_i
    return {"user_ids": user_ids, "item_ids": item_ids, "user_table": user_table, "item_table": item_table}

def reference(user_ids, item_ids, user_table, item_table):
    user_emb = jnp.take(user_table, user_ids, axis=0)
    item_emb = jnp.take(item_table, item_ids, axis=0)
    scores = jnp.sum(user_emb * item_emb, axis=1)
    return scores

if __name__ == "__main__":
    import jax
    _d = setup_inputs()
    print(jax.jit(kernel)(*tuple(_d.values())))

</pallas_src>

<mosaic_0001>
#map = affine_map<(d0, d1) -> (0)>
#map1 = affine_map<(d0, d1) -> (0, 0)>
module attributes {stable_mosaic.version = 14 : i64} {
  func.func @_sc_body(%arg0: i32, %arg1: i32, %arg2: memref<16384xi32, #tpu.memory_space<hbm>>, %arg3: memref<16384xi32, #tpu.memory_space<hbm>>, %arg4: memref<32x1000000xf32, #tpu.memory_space<hbm>>, %arg5: memref<32x1000000xf32, #tpu.memory_space<hbm>>, %arg6: memref<16384xf32, #tpu.memory_space<hbm>>, %arg7: memref<512xi32, #tpu.memory_space<vmem>>, %arg8: memref<512xi32, #tpu.memory_space<vmem>>, %arg9: memref<7x2x32x128xf32, #tpu.memory_space<vmem>>, %arg10: memref<7x2x32x128xf32, #tpu.memory_space<vmem>>, %arg11: memref<512xf32, #tpu.memory_space<vmem>>, %arg12: memref<!tpu.dma_semaphore, #tpu.memory_space<semaphore_mem>>, %arg13: memref<!tpu.dma_semaphore, #tpu.memory_space<semaphore_mem>>) attributes {dimension_semantics = [#tpu.dimension_semantics<core_parallel>, #tpu.dimension_semantics<subcore_parallel>], iteration_bounds = array<i64: 2, 16>, scalar_prefetch = 0 : i64, scratch_operands = 7 : i64, tpu.core_type = #tpu.core_type<sc_vector_subcore>, window_params = [{transform_indices = #map}, {transform_indices = #map}, {transform_indices = #map1}, {transform_indices = #map1}, {transform_indices = #map}]} {
    %mul3A = arith.constant 2 : i32
    %mul3A_0 = arith.muli %arg1, %mul3A : i32
    %add3A = arith.addi %mul3A_0, %arg0 : i32
    %mul3A_1 = arith.constant 512 : i32
    %mul3A_2 = arith.muli %add3A, %mul3A_1 : i32
    "tpu.region"() ({
      %run_scoped3A = tpu.sem_alloc : memref<!tpu.dma_semaphore, #tpu.memory_space<semaphore_mem>>
      %dma_start3A_817 = tpu.memref_slice %arg2[%mul3A_2] : memref<16384xi32, #tpu.memory_space<hbm>> -> memref<512xi32, #tpu.memory_space<hbm>>
      %dma_start3A_818 = tpu.memref_slice %arg2[%mul3A_2] : memref<16384xi32, #tpu.memory_space<hbm>> -> memref<512xi32, #tpu.memory_space<hbm>>
      tpu.enqueue_dma source(%dma_start3A_818 : memref<512xi32, #tpu.memory_space<hbm>>) target(%arg7 : memref<512xi32, #tpu.memory_space<vmem>>) target_semaphore(%run_scoped3A : memref<!tpu.dma_semaphore, #tpu.memory_space<semaphore_mem>>)
      %dma_wait3A = tpu.memref_slice %arg2[%mul3A_2] : memref<16384xi32, #tpu.memory_space<hbm>> -> memref<512xi32, #tpu.memory_space<hbm>>
      %dma_wait3A_819 = tpu.memref_slice %arg2[%mul3A_2] : memref<16384xi32, #tpu.memory_space<hbm>> -> memref<512xi32, #tpu.memory_space<hbm>>
      tpu.wait_dma2 semaphore(%run_scoped3A : memref<!tpu.dma_semaphore, #tpu.memory_space<semaphore_mem>>) src(%dma_wait3A_819 : memref<512xi32, #tpu.memory_space<hbm>>) dst(%arg7 : memref<512xi32, #tpu.memory_space<vmem>>)
      tpu.yield
    }) : () -> ()
    "tpu.region"() ({
      %run_scoped3A = tpu.sem_alloc : memref<!tpu.dma_semaphore, #tpu.memory_space<semaphore_mem>>
      %dma_start3A_817 = tpu.memref_slice %arg3[%mul3A_2] : memref<16384xi32, #tpu.memory_space<hbm>> -> memref<512xi32, #tpu.memory_space<hbm>>
      %dma_start3A_818 = tpu.memref_slice %arg3[%mul3A_2] : memref<16384xi32, #tpu.memory_space<hbm>> -> memref<512xi32, #tpu.memory_space<hbm>>
      tpu.enqueue_dma source(%dma_start3A_818 : memref<512xi32, #tpu.memory_space<hbm>>) target(%arg8 : memref<512xi32, #tpu.memory_space<vmem>>) target_semaphore(%run_scoped3A : memref<!tpu.dma_semaphore, #tpu.memory_space<semaphore_mem>>)
      %dma_wait3A = tpu.memref_slice %arg3[%mul3A_2] : memref<16384xi32, #tpu.memory_space<hbm>> -> memref<512xi32, #tpu.memory_space<hbm>>
      %dma_wait3A_819 = tpu.memref_slice %arg3[%mul3A_2] : memref<16384xi32, #tpu.memory_space<hbm>> -> memref<512xi32, #tpu.memory_space<hbm>>
      tpu.wait_dma2 semaphore(%run_scoped3A : memref<!tpu.dma_semaphore, #tpu.memory_space<semaphore_mem>>) src(%dma_wait3A_819 : memref<512xi32, #tpu.memory_space<hbm>>) dst(%arg8 : memref<512xi32, #tpu.memory_space<vmem>>)
      tpu.yield
    }) : () -> ()
    %iota3A = tpu.iota {dimensions = array<i32: 0>} : vector<16xi32>
    %add3A_3 = arith.constant 16 : i32
    %add3A_4 = vector.broadcast %add3A_3 : i32 to vector<16xi32>
    %add3A_5 = arith.addi %iota3A, %add3A_4 : vector<16xi32>
    %get3A = arith.constant 0 : index
    %get3A_6 = tpu.vector_load %arg7[%get3A] {strides = array<i32>} : memref<512xi32, #tpu.memory_space<vmem>>, vector<16xi32>,
    %get3A_7 = arith.constant 0 : index
    %get3A_8 = tpu.vector_load %arg8[%get3A_7] {strides = array<i32>} : memref<512xi32, #tpu.memory_space<vmem>>, vector<16xi32>,
    %eq3A = arith.constant 0 : i32
    %eq3A_9 = vector.broadcast %eq3A : i32 to vector<16xi32>
    %eq3A_10 = arith.cmpi eq, %iota3A, %eq3A_9 : vector<16xi32>
    %jit3A = arith.constant 0 : i32
    %broadcast_in_dim3A = vector.broadcast %jit3A : i32 to vector<16xi32>
    %select_n3A = arith.select %eq3A_10, %get3A_6, %broadcast_in_dim3A : vector<16xi1>, vector<16xi32>
    %reduce_max3A = arith.constant true
    %reduce_max3A_11 = vector.broadcast %reduce_max3A : i1 to vector<16xi1>
    %reduce_max3A_12 = arith.constant -2147483648 : i32
    %reduce_max3A_13 = vector.broadcast %reduce_max3A_12 : i32 to vector<16xi32>
    %reduce_max3A_14 = arith.xori %select_n3A, %reduce_max3A_13 : vector<16xi32>
    %reduce_max3A_15 = tpu.scan <max>, %reduce_max3A_14 masked %reduce_max3A_11 : vector<16xi32>, vector<16xi1> -> vector<16xi32>
    %reduce_max3A_16 = arith.xori %reduce_max3A_15, %reduce_max3A_13 : vector<16xi32>
    %reduce_max3A_17 = vector.extract %reduce_max3A_16[15] : i32 from vector<16xi32>
    %shift_right_arithmetic3A = arith.constant 7 : i32
    %shift_right_arithmetic3A_18 = arith.shrsi %reduce_max3A_17, %shift_right_arithmetic3A : i32
    %shift_left3A = arith.constant 7 : i32
    %shift_left3A_19 = arith.shli %shift_right_arithmetic3A_18, %shift_left3A : i32
    %multiple_of3A = tpu.assume_multiple %shift_left3A_19, 128 : i32
    %dma_start3A = arith.constant 0 : i32
    %dma_start3A_20 = arith.constant 0 : i32
    %dma_start3A_21 = arith.constant 0 : i32
    %dma_start3A_22 = arith.constant 0 : i32
    %dma_start3A_23 = tpu.memref_slice %arg9[%dma_start3A, %dma_start3A_20, %dma_start3A_21, %dma_start3A_22] : memref<7x2x32x128xf32, #tpu.memory_space<vmem>> -> memref<1x1x32x128xf32, #tpu.memory_space<vmem>>
    %dma_start3A_24 = tpu.memref_squeeze %dma_start3A_23 : memref<1x1x32x128xf32, #tpu.memory_space<vmem>> -> memref<32x128xf32, #tpu.memory_space<vmem>>
    %dma_start3A_25 = arith.constant 0 : i32
    %dma_start3A_26 = tpu.memref_slice %arg4[%dma_start3A_25, %multiple_of3A] : memref<32x1000000xf32, #tpu.memory_space<hbm>> -> memref<32x128xf32, #tpu.memory_space<hbm>>
    %dma_start3A_27 = arith.constant 0 : i32
    %dma_start3A_28 = arith.constant 0 : i32
    %dma_start3A_29 = tpu.memref_slice %arg9[%dma_start3A, %dma_start3A_20, %dma_start3A_27, %dma_start3A_28] : memref<7x2x32x128xf32, #tpu.memory_space<vmem>> -> memref<1x1x32x128xf32, #tpu.memory_space<vmem>>
    %dma_start3A_30 = tpu.memref_squeeze %dma_start3A_29 : memref<1x1x32x128xf32, #tpu.memory_space<vmem>> -> memref<32x128xf32, #tpu.memory_space<vmem>>
    %dma_start3A_31 = arith.constant 0 : i32
    %dma_start3A_32 = tpu.memref_slice %arg4[%dma_start3A_31, %multiple_of3A] : memref<32x1000000xf32, #tpu.memory_space<hbm>> -> memref<32x128xf32, #tpu.memory_space<hbm>>
    tpu.enqueue_dma source(%dma_start3A_32 : memref<32x128xf32, #tpu.memory_space<hbm>>) target(%dma_start3A_30 : memref<32x128xf32, #tpu.memory_space<vmem>>) target_semaphore(%arg12 : memref<!tpu.dma_semaphore, #tpu.memory_space<semaphore_mem>>)
    %eq3A_33 = arith.constant 0 : i32
    %eq3A_34 = vector.broadcast %eq3A_33 : i32 to vector<16xi32>
    %eq3A_35 = arith.cmpi eq, %iota3A, %eq3A_34 : vector<16xi32>
    %jit3A_36 = arith.constant 0 : i32
    %broadcast_in_dim3A_37 = vector.broadcast %jit3A_36 : i32 to vector<16xi32>
    %select_n3A_38 = arith.select %eq3A_35, %get3A_8, %broadcast_in_dim3A_37 : vector<16xi1>, vector<16xi32>
    %reduce_max3A_39 = arith.constant true
    %reduce_max3A_40 = vector.broadcast %reduce_max3A_39 : i1 to vector<16xi1>
    %reduce_max3A_41 = arith.constant -2147483648 : i32
    %reduce_max3A_42 = vector.broadcast %reduce_max3A_41 : i32 to vector<16xi32>
    %reduce_max3A_43 = arith.xori %select_n3A_38, %reduce_max3A_42 : vector<16xi32>
    %reduce_max3A_44 = tpu.scan <max>, %reduce_max3A_43 masked %reduce_max3A_40 : vector<16xi32>, vector<16xi1> -> vector<16xi32>
    %reduce_max3A_45 = arith.xori %reduce_max3A_44, %reduce_max3A_42 : vector<16xi32>
    %reduce_max3A_46 = vector.extract %reduce_max3A_45[15] : i32 from vector<16xi32>
    %shift_right_arithmetic3A_47 = arith.constant 7 : i32
    %shift_right_arithmetic3A_48 = arith.shrsi %reduce_max3A_46, %shift_right_arithmetic3A_47 : i32
    %shift_left3A_49 = arith.constant 7 : i32
    %shift_left3A_50 = arith.shli %shift_right_arithmetic3A_48, %shift_left3A_49 : i32
    %multiple_of3A_51 = tpu.assume_multiple %shift_left3A_50, 128 : i32
    %dma_start3A_52 = arith.constant 0 : i32
    %dma_start3A_53 = arith.constant 0 : i32
    %dma_start3A_54 = arith.constant 0 : i32
    %dma_start3A_55 = arith.constant 0 : i32
    %dma_start3A_56 = tpu.memref_slice %arg10[%dma_start3A_52, %dma_start3A_53, %dma_start3A_54, %dma_start3A_55] : memref<7x2x32x128xf32, #tpu.memory_space<vmem>> -> memref<1x1x32x128xf32, #tpu.memory_space<vmem>>
    %dma_start3A_57 = tpu.memref_squeeze %dma_start3A_56 : memref<1x1x32x128xf32, #tpu.memory_space<vmem>> -> memref<32x128xf32, #tpu.memory_space<vmem>>
    %dma_start3A_58 = arith.constant 0 : i32
    %dma_start3A_59 = tpu.memref_slice %arg5[%dma_start3A_58, %multiple_of3A_51] : memref<32x1000000xf32, #tpu.memory_space<hbm>> -> memref<32x128xf32, #tpu.memory_space<hbm>>
    %dma_start3A_60 = arith.constant 0 : i32
    %dma_start3A_61 = arith.constant 0 : i32
    %dma_start3A_62 = tpu.memref_slice %arg10[%dma_start3A_52, %dma_start3A_53, %dma_start3A_60, %dma_start3A_61] : memref<7x2x32x128xf32, #tpu.memory_space<vmem>> -> memref<1x1x32x128xf32, #tpu.memory_space<vmem>>
    %dma_start3A_63 = tpu.memref_squeeze %dma_start3A_62 : memref<1x1x32x128xf32, #tpu.memory_space<vmem>> -> memref<32x128xf32, #tpu.memory_space<vmem>>
    %dma_start3A_64 = arith.constant 0 : i32
    %dma_start3A_65 = tpu.memref_slice %arg5[%dma_start3A_64, %multiple_of3A_51] : memref<32x1000000xf32, #tpu.memory_space<hbm>> -> memref<32x128xf32, #tpu.memory_space<hbm>>
    tpu.enqueue_dma source(%dma_start3A_65 : memref<32x128xf32, #tpu.memory_space<hbm>>) target(%dma_start3A_63 : memref<32x128xf32, #tpu.memory_space<vmem>>) target_semaphore(%arg13 : memref<!tpu.dma_semaphore, #tpu.memory_space<semaphore_mem>>)
    %eq3A_66 = arith.constant 1 : i32
    %eq3A_67 = vector.broadcast %eq3A_66 : i32 to vector<16xi32>
    %eq3A_68 = arith.cmpi eq, %iota3A, %eq3A_67 : vector<16xi32>
    %jit3A_69 = arith.constant 0 : i32
    %broadcast_in_dim3A_70 = vector.broadcast %jit3A_69 : i32 to vector<16xi32>
    %select_n3A_71 = arith.select %eq3A_68, %get3A_6, %broadcast_in_dim3A_70 : vector<16xi1>, vector<16xi32>
    %reduce_max3A_72 = arith.constant true
    %reduce_max3A_73 = vector.broadcast %reduce_max3A_72 : i1 to vector<16xi1>
    %reduce_max3A_74 = arith.constant -2147483648 : i32
    %reduce_max3A_75 = vector.broadcast %reduce_max3A_74 : i32 to vector<16xi32>
    %reduce_max3A_76 = arith.xori %select_n3A_71, %reduce_max3A_75 : vector<16xi32>
    %reduce_max3A_77 = tpu.scan <max>, %reduce_max3A_76 masked %reduce_max3A_73 : vector<16xi32>, vector<16xi1> -> vector<16xi32>
    %reduce_max3A_78 = arith.xori %reduce_max3A_77, %reduce_max3A_75 : vector<16xi32>
    %reduce_max3A_79 = vector.extract %reduce_max3A_78[15] : i32 from vector<16xi32>
    %shift_right_arithmetic3A_80 = arith.constant 7 : i32
    %shift_right_arithmetic3A_81 = arith.shrsi %reduce_max3A_79, %shift_right_arithmetic3A_80 : i32
    %shift_left3A_82 = arith.constant 7 : i32
    %shift_left3A_83 = arith.shli %shift_right_arithmetic3A_81, %shift_left3A_82 : i32
    %multiple_of3A_84 = tpu.assume_multiple %shift_left3A_83, 128 : i32
    %dma_start3A_85 = arith.constant 0 : i32
    %dma_start3A_86 = arith.constant 1 : i32
    %dma_start3A_87 = arith.constant 0 : i32
    %dma_start3A_88 = arith.constant 0 : i32
    %dma_start3A_89 = tpu.memref_slice %arg9[%dma_start3A_85, %dma_start3A_86, %dma_start3A_87, %dma_start3A_88] : memref<7x2x32x128xf32, #tpu.memory_space<vmem>> -> memref<1x1x32x128xf32, #tpu.memory_space<vmem>>
    %dma_start3A_90 = tpu.memref_squeeze %dma_start3A_89 : memref<1x1x32x128xf32, #tpu.memory_space<vmem>> -> memref<32x128xf32, #tpu.memory_space<vmem>>
    %dma_start3A_91 = arith.constant 0 : i32
    %dma_start3A_92 = tpu.memref_slice %arg4[%dma_start3A_91, %multiple_of3A_84] : memref<32x1000000xf32, #tpu.memory_space<hbm>> -> memref<32x128xf32, #tpu.memory_space<hbm>>
    %dma_start3A_93 = arith.constant 0 : i32
    %dma_start3A_94 = arith.constant 0 : i32
    %dma_start3A_95 = tpu.memref_slice %arg9[%dma_start3A_85, %dma_start3A_86, %dma_start3A_93, %dma_start3A_94] : memref<7x2x32x128xf32, #tpu.memory_space<vmem>> -> memref<1x1x32x128xf32, #tpu.memory_space<vmem>>
    %dma_start3A_96 = tpu.memref_squeeze %dma_start3A_95 : memref<1x1x32x128xf32, #tpu.memory_space<vmem>> -> memref<32x128xf32, #tpu.memory_space<vmem>>
    %dma_start3A_97 = arith.constant 0 : i32
    %dma_start3A_98 = tpu.memref_slice %arg4[%dma_start3A_97, %multiple_of3A_84] : memref<32x1000000xf32, #tpu.memory_space<hbm>> -> memref<32x128xf32, #tpu.memory_space<hbm>>
    tpu.enqueue_dma source(%dma_start3A_98 : memref<32x128xf32, #tpu.memory_space<hbm>>) target(%dma_start3A_96 : memref<32x128xf32, #tpu.memory_space<vmem>>) target_semaphore(%arg12 : memref<!tpu.dma_semaphore, #tpu.memory_space<semaphore_mem>>)
    %eq3A_99 = arith.constant 1 : i32
    %eq3A_100 = vector.broadcast %eq3A_99 : i32 to vector<16xi32>
    %eq3A_101 = arith.cmpi eq, %iota3A, %eq3A_100 : vector<16xi32>
    %jit3A_102 = arith.constant 0 : i32
    %broadcast_in_dim3A_103 = vector.broadcast %jit3A_102 : i32 to vector<16xi32>
    %select_n3A_104 = arith.select %eq3A_101, %get3A_8, %broadcast_in_dim3A_103 : vector<16xi1>, vector<16xi32>
    %reduce_max3A_105 = arith.constant true
    %reduce_max3A_106 = vector.broadcast %reduce_max3A_105 : i1 to vector<16xi1>
    %reduce_max3A_107 = arith.constant -2147483648 : i32
    %reduce_max3A_108 = vector.broadcast %reduce_max3A_107 : i32 to vector<16xi32>
    %reduce_max3A_109 = arith.xori %select_n3A_104, %reduce_max3A_108 : vector<16xi32>
    %reduce_max3A_110 = tpu.scan <max>, %reduce_max3A_109 masked %reduce_max3A_106 : vector<16xi32>, vector<16xi1> -> vector<16xi32>
    %reduce_max3A_111 = arith.xori %reduce_max3A_110, %reduce_max3A_108 : vector<16xi32>
    %reduce_max3A_112 = vector.extract %reduce_max3A_111[15] : i32 from vector<16xi32>
    %shift_right_arithmetic3A_113 = arith.constant 7 : i32
    %shift_right_arithmetic3A_114 = arith.shrsi %reduce_max3A_112, %shift_right_arithmetic3A_113 : i32
    %shift_left3A_115 = arith.constant 7 : i32
    %shift_left3A_116 = arith.shli %shift_right_arithmetic3A_114, %shift_left3A_115 : i32
    %multiple_of3A_117 = tpu.assume_multiple %shift_left3A_116, 128 : i32
    %dma_start3A_118 = arith.constant 0 : i32
    %dma_start3A_119 = arith.constant 1 : i32
    %dma_start3A_120 = arith.constant 0 : i32
    %dma_start3A_121 = arith.constant 0 : i32
    %dma_start3A_122 = tpu.memref_slice %arg10[%dma_start3A_118, %dma_start3A_119, %dma_start3A_120, %dma_start3A_121] : memref<7x2x32x128xf32, #tpu.memory_space<vmem>> -> memref<1x1x32x128xf32, #tpu.memory_space<vmem>>
    %dma_start3A_123 = tpu.memref_squeeze %dma_start3A_122 : memref<1x1x32x128xf32, #tpu.memory_space<vmem>> -> memref<32x128xf32, #tpu.memory_space<vmem>>
    %dma_start3A_124 = arith.constant 0 : i32
    %dma_start3A_125 = tpu.memref_slice %arg5[%dma_start3A_124, %multiple_of3A_117] : memref<32x1000000xf32, #tpu.memory_space<hbm>> -> memref<32x128xf32, #tpu.memory_space<hbm>>
    %dma_start3A_126 = arith.constant 0 : i32
    %dma_start3A_127 = arith.constant 0 : i32
    %dma_start3A_128 = tpu.memref_slice %arg10[%dma_start3A_118, %dma_start3A_119, %dma_start3A_126, %dma_start3A_127] : memref<7x2x32x128xf32, #tpu.memory_space<vmem>> -> memref<1x1x32x128xf32, #tpu.memory_space<vmem>>
    %dma_start3A_129 = tpu.memref_squeeze %dma_start3A_128 : memref<1x1x32x128xf32, #tpu.memory_space<vmem>> -> memref<32x128xf32, #tpu.memory_space<vmem>>
    %dma_start3A_130 = arith.constant 0 : i32
    %dma_start3A_131 = tpu.memref_slice %arg5[%dma_start3A_130, %multiple_of3A_117] : memref<32x1000000xf32, #tpu.memory_space<hbm>> -> memref<32x128xf32, #tpu.memory_space<hbm>>
    tpu.enqueue_dma source(%dma_start3A_131 : memref<32x128xf32, #tpu.memory_space<hbm>>) target(%dma_start3A_129 : memref<32x128xf32, #tpu.memory_space<vmem>>) target_semaphore(%arg13 : memref<!tpu.dma_semaphore, #tpu.memory_space<semaphore_mem>>)
    %get3A_132 = arith.constant 0 : index
    %get3A_133 = tpu.vector_load %arg7[%get3A_132] {strides = array<i32>} : memref<512xi32, #tpu.memory_space<vmem>>, vector<16xi32>,
    %get3A_134 = arith.constant 0 : index
    %get3A_135 = tpu.vector_load %arg8[%get3A_134] {strides = array<i32>} : memref<512xi32, #tpu.memory_space<vmem>>, vector<16xi32>,
    %eq3A_136 = arith.constant 2 : i32
    %eq3A_137 = vector.broadcast %eq3A_136 : i32 to vector<16xi32>
    %eq3A_138 = arith.cmpi eq, %iota3A, %eq3A_137 : vector<16xi32>
    %jit3A_139 = arith.constant 0 : i32
    %broadcast_in_dim3A_140 = vector.broadcast %jit3A_139 : i32 to vector<16xi32>
    %select_n3A_141 = arith.select %eq3A_138, %get3A_133, %broadcast_in_dim3A_140 : vector<16xi1>, vector<16xi32>
    %reduce_max3A_142 = arith.constant true
    %reduce_max3A_143 = vector.broadcast %reduce_max3A_142 : i1 to vector<16xi1>
    %reduce_max3A_144 = arith.constant -2147483648 : i32
    %reduce_max3A_145 = vector.broadcast %reduce_max3A_144 : i32 to vector<16xi32>
    %reduce_max3A_146 = arith.xori %select_n3A_141, %reduce_max3A_145 : vector<16xi32>
    %reduce_max3A_147 = tpu.scan <max>, %reduce_max3A_146 masked %reduce_max3A_143 : vector<16xi32>, vector<16xi1> -> vector<16xi32>
    %reduce_max3A_148 = arith.xori %reduce_max3A_147, %reduce_max3A_145 : vector<16xi32>
    %reduce_max3A_149 = vector.extract %reduce_max3A_148[15] : i32 from vector<16xi32>
    %shift_right_arithmetic3A_150 = arith.constant 7 : i32
    %shift_right_arithmetic3A_151 = arith.shrsi %reduce_max3A_149, %shift_right_arithmetic3A_150 : i32
    %shift_left3A_152 = arith.constant 7 : i32
    %shift_left3A_153 = arith.shli %shift_right_arithmetic3A_151, %shift_left3A_152 : i32
    %multiple_of3A_154 = tpu.assume_multiple %shift_left3A_153, 128 : i32
    %dma_start3A_155 = arith.constant 1 : i32
    %dma_start3A_156 = arith.constant 0 : i32
    %dma_start3A_157 = arith.constant 0 : i32
    %dma_start3A_158 = arith.constant 0 : i32
    %dma_start3A_159 = tpu.memref_slice %arg9[%dma_start3A_155, %dma_start3A_156, %dma_start3A_157, %dma_start3A_158] : memref<7x2x32x128xf32, #tpu.memory_space<vmem>> -> memref<1x1x32x128xf32, #tpu.memory_space<vmem>>
    %dma_start3A_160 = tpu.memref_squeeze %dma_start3A_159 : memref<1x1x32x128xf32, #tpu.memory_space<vmem>> -> memref<32x128xf32, #tpu.memory_space<vmem>>
    %dma_start3A_161 = arith.constant 0 : i32
    %dma_start3A_162 = tpu.memref_slice %arg4[%dma_start3A_161, %multiple_of3A_154] : memref<32x1000000xf32, #tpu.memory_space<hbm>> -> memref<32x128xf32, #tpu.memory_space<hbm>>
    %dma_start3A_163 = arith.constant 0 : i32
    %dma_start3A_164 = arith.constant 0 : i32
    %dma_start3A_165 = tpu.memref_slice %arg9[%dma_start3A_155, %dma_start3A_156, %dma_start3A_163, %dma_start3A_164] : memref<7x2x32x128xf32, #tpu.memory_space<vmem>> -> memref<1x1x32x128xf32, #tpu.memory_space<vmem>>
    %dma_start3A_166 = tpu.memref_squeeze %dma_start3A_165 : memref<1x1x32x128xf32, #tpu.memory_space<vmem>> -> memref<32x128xf32, #tpu.memory_space<vmem>>
    %dma_start3A_167 = arith.constant 0 : i32
    %dma_start3A_168 = tpu.memref_slice %arg4[%dma_start3A_167, %multiple_of3A_154] : memref<32x1000000xf32, #tpu.memory_space<hbm>> -> memref<32x128xf32, #tpu.memory_space<hbm>>
    tpu.enqueue_dma source(%dma_start3A_168 : memref<32x128xf32, #tpu.memory_space<hbm>>) target(%dma_start3A_166 : memref<32x128xf32, #tpu.memory_space<vmem>>) target_semaphore(%arg12 : memref<!tpu.dma_semaphore, #tpu.memory_space<semaphore_mem>>)
    %eq3A_169 = arith.constant 2 : i32
    %eq3A_170 = vector.broadcast %eq3A_169 : i32 to vector<16xi32>
    %eq3A_171 = arith.cmpi eq, %iota3A, %eq3A_170 : vector<16xi32>
    %jit3A_172 = arith.constant 0 : i32
    %broadcast_in_dim3A_173 = vector.broadcast %jit3A_172 : i32 to vector<16xi32>
    %select_n3A_174 = arith.select %eq3A_171, %get3A_135, %broadcast_in_dim3A_173 : vector<16xi1>, vector<16xi32>
    %reduce_max3A_175 = arith.constant true
    %reduce_max3A_176 = vector.broadcast %reduce_max3A_175 : i1 to vector<16xi1>
    %reduce_max3A_177 = arith.constant -2147483648 : i32
    %reduce_max3A_178 = vector.broadcast %reduce_max3A_177 : i32 to vector<16xi32>
    %reduce_max3A_179 = arith.xori %select_n3A_174, %reduce_max3A_178 : vector<16xi32>
    %reduce_max3A_180 = tpu.scan <max>, %reduce_max3A_179 masked %reduce_max3A_176 : vector<16xi32>, vector<16xi1> -> vector<16xi32>
    %reduce_max3A_181 = arith.xori %reduce_max3A_180, %reduce_max3A_178 : vector<16xi32>
    %reduce_max3A_182 = vector.extract %reduce_max3A_181[15] : i32 from vector<16xi32>
    %shift_right_arithmetic3A_183 = arith.constant 7 : i32
    %shift_right_arithmetic3A_184 = arith.shrsi %reduce_max3A_182, %shift_right_arithmetic3A_183 : i32
    %shift_left3A_185 = arith.constant 7 : i32
    %shift_left3A_186 = arith.shli %shift_right_arithmetic3A_184, %shift_left3A_185 : i32
    %multiple_of3A_187 = tpu.assume_multiple %shift_left3A_186, 128 : i32
    %dma_start3A_188 = arith.constant 1 : i32
    %dma_start3A_189 = arith.constant 0 : i32
    %dma_start3A_190 = arith.constant 0 : i32
    %dma_start3A_191 = arith.constant 0 : i32
    %dma_start3A_192 = tpu.memref_slice %arg10[%dma_start3A_188, %dma_start3A_189, %dma_start3A_190, %dma_start3A_191] : memref<7x2x32x128xf32, #tpu.memory_space<vmem>> -> memref<1x1x32x128xf32, #tpu.memory_space<vmem>>
    %dma_start3A_193 = tpu.memref_squeeze %dma_start3A_192 : memref<1x1x32x128xf32, #tpu.memory_space<vmem>> -> memref<32x128xf32, #tpu.memory_space<vmem>>
    %dma_start3A_194 = arith.constant 0 : i32
    %dma_start3A_195 = tpu.memref_slice %arg5[%dma_start3A_194, %multiple_of3A_187] : memref<32x1000000xf32, #tpu.memory_space<hbm>> -> memref<32x128xf32, #tpu.memory_space<hbm>>
    %dma_start3A_196 = arith.constant 0 : i32
    %dma_start3A_197 = arith.constant 0 : i32
    %dma_start3A_198 = tpu.memref_slice %arg10[%dma_start3A_188, %dma_start3A_189, %dma_start3A_196, %dma_start3A_197] : memref<7x2x32x128xf32, #tpu.memory_space<vmem>> -> memref<1x1x32x128xf32, #tpu.memory_space<vmem>>
    %dma_start3A_199 = tpu.memref_squeeze %dma_start3A_198 : memref<1x1x32x128xf32, #tpu.memory_space<vmem>> -> memref<32x128xf32, #tpu.memory_space<vmem>>
    %dma_start3A_200 = arith.constant 0 : i32
    %dma_start3A_201 = tpu.memref_slice %arg5[%dma_start3A_200, %multiple_of3A_187] : memref<32x1000000xf32, #tpu.memory_space<hbm>> -> memref<32x128xf32, #tpu.memory_space<hbm>>
    tpu.enqueue_dma source(%dma_start3A_201 : memref<32x128xf32, #tpu.memory_space<hbm>>) target(%dma_start3A_199 : memref<32x128xf32, #tpu.memory_space<vmem>>) target_semaphore(%arg13 : memref<!tpu.dma_semaphore, #tpu.memory_space<semaphore_mem>>)
    %eq3A_202 = arith.constant 3 : i32
    %eq3A_203 = vector.broadcast %eq3A_202 : i32 to vector<16xi32>
    %eq3A_204 = arith.cmpi eq, %iota3A, %eq3A_203 : vector<16xi32>
    %jit3A_205 = arith.constant 0 : i32
    %broadcast_in_dim3A_206 = vector.broadcast %jit3A_205 : i32 to vector<16xi32>
    %select_n3A_207 = arith.select %eq3A_204, %get3A_133, %broadcast_in_dim3A_206 : vector<16xi1>, vector<16xi32>
    %reduce_max3A_208 = arith.constant true
    %reduce_max3A_209 = vector.broadcast %reduce_max3A_208 : i1 to vector<16xi1>
    %reduce_max3A_210 = arith.constant -2147483648 : i32
    %reduce_max3A_211 = vector.broadcast %reduce_max3A_210 : i32 to vector<16xi32>
    %reduce_max3A_212 = arith.xori %select_n3A_207, %reduce_max3A_211 : vector<16xi32>
    %reduce_max3A_213 = tpu.scan <max>, %reduce_max3A_212 masked %reduce_max3A_209 : vector<16xi32>, vector<16xi1> -> vector<16xi32>
    %reduce_max3A_214 = arith.xori %reduce_max3A_213, %reduce_max3A_211 : vector<16xi32>
    %reduce_max3A_215 = vector.extract %reduce_max3A_214[15] : i32 from vector<16xi32>
    %shift_right_arithmetic3A_216 = arith.constant 7 : i32
    %shift_right_arithmetic3A_217 = arith.shrsi %reduce_max3A_215, %shift_right_arithmetic3A_216 : i32
    %shift_left3A_218 = arith.constant 7 : i32
    %shift_left3A_219 = arith.shli %shift_right_arithmetic3A_217, %shift_left3A_218 : i32
    %multiple_of3A_220 = tpu.assume_multiple %shift_left3A_219, 128 : i32
    %dma_start3A_221 = arith.constant 1 : i32
    %dma_start3A_222 = arith.constant 1 : i32
    %dma_start3A_223 = arith.constant 0 : i32
    %dma_start3A_224 = arith.constant 0 : i32
    %dma_start3A_225 = tpu.memref_slice %arg9[%dma_start3A_221, %dma_start3A_222, %dma_start3A_223, %dma_start3A_224] : memref<7x2x32x128xf32, #tpu.memory_space<vmem>> -> memref<1x1x32x128xf32, #tpu.memory_space<vmem>>
    %dma_start3A_226 = tpu.memref_squeeze %dma_start3A_225 : memref<1x1x32x128xf32, #tpu.memory_space<vmem>> -> memref<32x128xf32, #tpu.memory_space<vmem>>
    %dma_start3A_227 = arith.constant 0 : i32
    %dma_start3A_228 = tpu.memref_slice %arg4[%dma_start3A_227, %multiple_of3A_220] : memref<32x1000000xf32, #tpu.memory_space<hbm>> -> memref<32x128xf32, #tpu.memory_space<hbm>>
    %dma_start3A_229 = arith.constant 0 : i32
    %dma_start3A_230 = arith.constant 0 : i32
    %dma_start3A_231 = tpu.memref_slice %arg9[%dma_start3A_221, %dma_start3A_222, %dma_start3A_229, %dma_start3A_230] : memref<7x2x32x128xf32, #tpu.memory_space<vmem>> -> memref<1x1x32x128xf32, #tpu.memory_space<vmem>>
    %dma_start3A_232 = tpu.memref_squeeze %dma_start3A_231 : memref<1x1x32x128xf32, #tpu.memory_space<vmem>> -> memref<32x128xf32, #tpu.memory_space<vmem>>
    %dma_start3A_233 = arith.constant 0 : i32
    %dma_start3A_234 = tpu.memref_slice %arg4[%dma_start3A_233, %multiple_of3A_220] : memref<32x1000000xf32, #tpu.memory_space<hbm>> -> memref<32x128xf32, #tpu.memory_space<hbm>>
    tpu.enqueue_dma source(%dma_start3A_234 : memref<32x128xf32, #tpu.memory_space<hbm>>) target(%dma_start3A_232 : memref<32x128xf32, #tpu.memory_space<vmem>>) target_semaphore(%arg12 : memref<!tpu.dma_semaphore, #tpu.memory_space<semaphore_mem>>)
    %eq3A_235 = arith.constant 3 : i32
    %eq3A_236 = vector.broadcast %eq3A_235 : i32 to vector<16xi32>
    %eq3A_237 = arith.cmpi eq, %iota3A, %eq3A_236 : vector<16xi32>
    %jit3A_238 = arith.constant 0 : i32
    %broadcast_in_dim3A_239 = vector.broadcast %jit3A_238 : i32 to vector<16xi32>
    %select_n3A_240 = arith.select %eq3A_237, %get3A_135, %broadcast_in_dim3A_239 : vector<16xi1>, vector<16xi32>
    %reduce_max3A_241 = arith.constant true
    %reduce_max3A_242 = vector.broadcast %reduce_max3A_241 : i1 to vector<16xi1>
    %reduce_max3A_243 = arith.constant -2147483648 : i32
    %reduce_max3A_244 = vector.broadcast %reduce_max3A_243 : i32 to vector<16xi32>
    %reduce_max3A_245 = arith.xori %select_n3A_240, %reduce_max3A_244 : vector<16xi32>
    %reduce_max3A_246 = tpu.scan <max>, %reduce_max3A_245 masked %reduce_max3A_242 : vector<16xi32>, vector<16xi1> -> vector<16xi32>
    %reduce_max3A_247 = arith.xori %reduce_max3A_246, %reduce_max3A_244 : vector<16xi32>
    %reduce_max3A_248 = vector.extract %reduce_max3A_247[15] : i32 from vector<16xi32>
    %shift_right_arithmetic3A_249 = arith.constant 7 : i32
    %shift_right_arithmetic3A_250 = arith.shrsi %reduce_max3A_248, %shift_right_arithmetic3A_249 : i32
    %shift_left3A_251 = arith.constant 7 : i32
    %shift_left3A_252 = arith.shli %shift_right_arithmetic3A_250, %shift_left3A_251 : i32
    %multiple_of3A_253 = tpu.assume_multiple %shift_left3A_252, 128 : i32
    %dma_start3A_254 = arith.constant 1 : i32
    %dma_start3A_255 = arith.constant 1 : i32
    %dma_start3A_256 = arith.constant 0 : i32
    %dma_start3A_257 = arith.constant 0 : i32
    %dma_start3A_258 = tpu.memref_slice %arg10[%dma_start3A_254, %dma_start3A_255, %dma_start3A_256, %dma_start3A_257] : memref<7x2x32x128xf32, #tpu.memory_space<vmem>> -> memref<1x1x32x128xf32, #tpu.memory_space<vmem>>
    %dma_start3A_259 = tpu.memref_squeeze %dma_start3A_258 : memref<1x1x32x128xf32, #tpu.memory_space<vmem>> -> memref<32x128xf32, #tpu.memory_space<vmem>>
    %dma_start3A_260 = arith.constant 0 : i32
    %dma_start3A_261 = tpu.memref_slice %arg5[%dma_start3A_260, %multiple_of3A_253] : memref<32x1000000xf32, #tpu.memory_space<hbm>> -> memref<32x128xf32, #tpu.memory_space<hbm>>
    %dma_start3A_262 = arith.constant 0 : i32
    %dma_start3A_263 = arith.constant 0 : i32
    %dma_start3A_264 = tpu.memref_slice %arg10[%dma_start3A_254, %dma_start3A_255, %dma_start3A_262, %dma_start3A_263] : memref<7x2x32x128xf32, #tpu.memory_space<vmem>> -> memref<1x1x32x128xf32, #tpu.memory_space<vmem>>
    %dma_start3A_265 = tpu.memref_squeeze %dma_start3A_264 : memref<1x1x32x128xf32, #tpu.memory_space<vmem>> -> memref<32x128xf32, #tpu.memory_space<vmem>>
    %dma_start3A_266 = arith.constant 0 : i32
    %dma_start3A_267 = tpu.memref_slice %arg5[%dma_start3A_266, %multiple_of3A_253] : memref<32x1000000xf32, #tpu.memory_space<hbm>> -> memref<32x128xf32, #tpu.memory_space<hbm>>
    tpu.enqueue_dma source(%dma_start3A_267 : memref<32x128xf32, #tpu.memory_space<hbm>>) target(%dma_start3A_265 : memref<32x128xf32, #tpu.memory_space<vmem>>) target_semaphore(%arg13 : memref<!tpu.dma_semaphore, #tpu.memory_space<semaphore_mem>>)
    %get3A_268 = arith.constant 0 : index
    %get3A_269 = tpu.vector_load %arg7[%get3A_268] {strides = array<i32>} : memref<512xi32, #tpu.memory_space<vmem>>, vector<16xi32>,
    %get3A_270 = arith.constant 0 : index
    %get3A_271 = tpu.vector_load %arg8[%get3A_270] {strides = array<i32>} : memref<512xi32, #tpu.memory_space<vmem>>, vector<16xi32>,
    %eq3A_272 = arith.constant 4 : i32
    %eq3A_273 = vector.broadcast %eq3A_272 : i32 to vector<16xi32>
    %eq3A_274 = arith.cmpi eq, %iota3A, %eq3A_273 : vector<16xi32>
    %jit3A_275 = arith.constant 0 : i32
    %broadcast_in_dim3A_276 = vector.broadcast %jit3A_275 : i32 to vector<16xi32>
    %select_n3A_277 = arith.select %eq3A_274, %get3A_269, %broadcast_in_dim3A_276 : vector<16xi1>, vector<16xi32>
    %reduce_max3A_278 = arith.constant true
    %reduce_max3A_279 = vector.broadcast %reduce_max3A_278 : i1 to vector<16xi1>
    %reduce_max3A_280 = arith.constant -2147483648 : i32
    %reduce_max3A_281 = vector.broadcast %reduce_max3A_280 : i32 to vector<16xi32>
    %reduce_max3A_282 = arith.xori %select_n3A_277, %reduce_max3A_281 : vector<16xi32>
    %reduce_max3A_283 = tpu.scan <max>, %reduce_max3A_282 masked %reduce_max3A_279 : vector<16xi32>, vector<16xi1> -> vector<16xi32>
    %reduce_max3A_284 = arith.xori %reduce_max3A_283, %reduce_max3A_281 : vector<16xi32>
    %reduce_max3A_285 = vector.extract %reduce_max3A_284[15] : i32 from vector<16xi32>
    %shift_right_arithmetic3A_286 = arith.constant 7 : i32
    %shift_right_arithmetic3A_287 = arith.shrsi %reduce_max3A_285, %shift_right_arithmetic3A_286 : i32
    %shift_left3A_288 = arith.constant 7 : i32
    %shift_left3A_289 = arith.shli %shift_right_arithmetic3A_287, %shift_left3A_288 : i32
    %multiple_of3A_290 = tpu.assume_multiple %shift_left3A_289, 128 : i32
    %dma_start3A_291 = arith.constant 2 : i32
    %dma_start3A_292 = arith.constant 0 : i32
    %dma_start3A_293 = arith.constant 0 : i32
    %dma_start3A_294 = arith.constant 0 : i32
    %dma_start3A_295 = tpu.memref_slice %arg9[%dma_start3A_291, %dma_start3A_292, %dma_start3A_293, %dma_start3A_294] : memref<7x2x32x128xf32, #tpu.memory_space<vmem>> -> memref<1x1x32x128xf32, #tpu.memory_space<vmem>>
    %dma_start3A_296 = tpu.memref_squeeze %dma_start3A_295 : memref<1x1x32x128xf32, #tpu.memory_space<vmem>> -> memref<32x128xf32, #tpu.memory_space<vmem>>
    %dma_start3A_297 = arith.constant 0 : i32
    %dma_start3A_298 = tpu.memref_slice %arg4[%dma_start3A_297, %multiple_of3A_290] : memref<32x1000000xf32, #tpu.memory_space<hbm>> -> memref<32x128xf32, #tpu.memory_space<hbm>>
    %dma_start3A_299 = arith.constant 0 : i32
    %dma_start3A_300 = arith.constant 0 : i32
    %dma_start3A_301 = tpu.memref_slice %arg9[%dma_start3A_291, %dma_start3A_292, %dma_start3A_299, %dma_start3A_300] : memref<7x2x32x128xf32, #tpu.memory_space<vmem>> -> memref<1x1x32x128xf32, #tpu.memory_space<vmem>>
    %dma_start3A_302 = tpu.memref_squeeze %dma_start3A_301 : memref<1x1x32x128xf32, #tpu.memory_space<vmem>> -> memref<32x128xf32, #tpu.memory_space<vmem>>
    %dma_start3A_303 = arith.constant 0 : i32
    %dma_start3A_304 = tpu.memref_slice %arg4[%dma_start3A_303, %multiple_of3A_290] : memref<32x1000000xf32, #tpu.memory_space<hbm>> -> memref<32x128xf32, #tpu.memory_space<hbm>>
    tpu.enqueue_dma source(%dma_start3A_304 : memref<32x128xf32, #tpu.memory_space<hbm>>) target(%dma_start3A_302 : memref<32x128xf32, #tpu.memory_space<vmem>>) target_semaphore(%arg12 : memref<!tpu.dma_semaphore, #tpu.memory_space<semaphore_mem>>)
    %eq3A_305 = arith.constant 4 : i32
    %eq3A_306 = vector.broadcast %eq3A_305 : i32 to vector<16xi32>
    %eq3A_307 = arith.cmpi eq, %iota3A, %eq3A_306 : vector<16xi32>
    %jit3A_308 = arith.constant 0 : i32
    %broadcast_in_dim3A_309 = vector.broadcast %jit3A_308 : i32 to vector<16xi32>
    %select_n3A_310 = arith.select %eq3A_307, %get3A_271, %broadcast_in_dim3A_309 : vector<16xi1>, vector<16xi32>
    %reduce_max3A_311 = arith.constant true
    %reduce_max3A_312 = vector.broadcast %reduce_max3A_311 : i1 to vector<16xi1>
    %reduce_max3A_313 = arith.constant -2147483648 : i32
    %reduce_max3A_314 = vector.broadcast %reduce_max3A_313 : i32 to vector<16xi32>
    %reduce_max3A_315 = arith.xori %select_n3A_310, %reduce_max3A_314 : vector<16xi32>
    %reduce_max3A_316 = tpu.scan <max>, %reduce_max3A_315 masked %reduce_max3A_312 : vector<16xi32>, vector<16xi1> -> vector<16xi32>
    %reduce_max3A_317 = arith.xori %reduce_max3A_316, %reduce_max3A_314 : vector<16xi32>
    %reduce_max3A_318 = vector.extract %reduce_max3A_317[15] : i32 from vector<16xi32>
    %shift_right_arithmetic3A_319 = arith.constant 7 : i32
    %shift_right_arithmetic3A_320 = arith.shrsi %reduce_max3A_318, %shift_right_arithmetic3A_319 : i32
    %shift_left3A_321 = arith.constant 7 : i32
    %shift_left3A_322 = arith.shli %shift_right_arithmetic3A_320, %shift_left3A_321 : i32
    %multiple_of3A_323 = tpu.assume_multiple %shift_left3A_322, 128 : i32
    %dma_start3A_324 = arith.constant 2 : i32
    %dma_start3A_325 = arith.constant 0 : i32
    %dma_start3A_326 = arith.constant 0 : i32
    %dma_start3A_327 = arith.constant 0 : i32
    %dma_start3A_328 = tpu.memref_slice %arg10[%dma_start3A_324, %dma_start3A_325, %dma_start3A_326, %dma_start3A_327] : memref<7x2x32x128xf32, #tpu.memory_space<vmem>> -> memref<1x1x32x128xf32, #tpu.memory_space<vmem>>
    %dma_start3A_329 = tpu.memref_squeeze %dma_start3A_328 : memref<1x1x32x128xf32, #tpu.memory_space<vmem>> -> memref<32x128xf32, #tpu.memory_space<vmem>>
    %dma_start3A_330 = arith.constant 0 : i32
    %dma_start3A_331 = tpu.memref_slice %arg5[%dma_start3A_330, %multiple_of3A_323] : memref<32x1000000xf32, #tpu.memory_space<hbm>> -> memref<32x128xf32, #tpu.memory_space<hbm>>
    %dma_start3A_332 = arith.constant 0 : i32
    %dma_start3A_333 = arith.constant 0 : i32
    %dma_start3A_334 = tpu.memref_slice %arg10[%dma_start3A_324, %dma_start3A_325, %dma_start3A_332, %dma_start3A_333] : memref<7x2x32x128xf32, #tpu.memory_space<vmem>> -> memref<1x1x32x128xf32, #tpu.memory_space<vmem>>
    %dma_start3A_335 = tpu.memref_squeeze %dma_start3A_334 : memref<1x1x32x128xf32, #tpu.memory_space<vmem>> -> memref<32x128xf32, #tpu.memory_space<vmem>>
    %dma_start3A_336 = arith.constant 0 : i32
    %dma_start3A_337 = tpu.memref_slice %arg5[%dma_start3A_336, %multiple_of3A_323] : memref<32x1000000xf32, #tpu.memory_space<hbm>> -> memref<32x128xf32, #tpu.memory_space<hbm>>
    tpu.enqueue_dma source(%dma_start3A_337 : memref<32x128xf32, #tpu.memory_space<hbm>>) target(%dma_start3A_335 : memref<32x128xf32, #tpu.memory_space<vmem>>) target_semaphore(%arg13 : memref<!tpu.dma_semaphore, #tpu.memory_space<semaphore_mem>>)
    %eq3A_338 = arith.constant 5 : i32
    %eq3A_339 = vector.broadcast %eq3A_338 : i32 to vector<16xi32>
    %eq3A_340 = arith.cmpi eq, %iota3A, %eq3A_339 : vector<16xi32>
    %jit3A_341 = arith.constant 0 : i32
    %broadcast_in_dim3A_342 = vector.broadcast %jit3A_341 : i32 to vector<16xi32>
    %select_n3A_343 = arith.select %eq3A_340, %get3A_269, %broadcast_in_dim3A_342 : vector<16xi1>, vector<16xi32>
    %reduce_max3A_344 = arith.constant true
    %reduce_max3A_345 = vector.broadcast %reduce_max3A_344 : i1 to vector<16xi1>
    %reduce_max3A_346 = arith.constant -2147483648 : i32
    %reduce_max3A_347 = vector.broadcast %reduce_max3A_346 : i32 to vector<16xi32>
    %reduce_max3A_348 = arith.xori %select_n3A_343, %reduce_max3A_347 : vector<16xi32>
    %reduce_max3A_349 = tpu.scan <max>, %reduce_max3A_348 masked %reduce_max3A_345 : vector<16xi32>, vector<16xi1> -> vector<16xi32>
    %reduce_max3A_350 = arith.xori %reduce_max3A_349, %reduce_max3A_347 : vector<16xi32>
    %reduce_max3A_351 = vector.extract %reduce_max3A_350[15] : i32 from vector<16xi32>
    %shift_right_arithmetic3A_352 = arith.constant 7 : i32
    %shift_right_arithmetic3A_353 = arith.shrsi %reduce_max3A_351, %shift_right_arithmetic3A_352 : i32
    %shift_left3A_354 = arith.constant 7 : i32
    %shift_left3A_355 = arith.shli %shift_right_arithmetic3A_353, %shift_left3A_354 : i32
    %multiple_of3A_356 = tpu.assume_multiple %shift_left3A_355, 128 : i32
    %dma_start3A_357 = arith.constant 2 : i32
    %dma_start3A_358 = arith.constant 1 : i32
    %dma_start3A_359 = arith.constant 0 : i32
    %dma_start3A_360 = arith.constant 0 : i32
    %dma_start3A_361 = tpu.memref_slice %arg9[%dma_start3A_357, %dma_start3A_358, %dma_start3A_359, %dma_start3A_360] : memref<7x2x32x128xf32, #tpu.memory_space<vmem>> -> memref<1x1x32x128xf32, #tpu.memory_space<vmem>>
    %dma_start3A_362 = tpu.memref_squeeze %dma_start3A_361 : memref<1x1x32x128xf32, #tpu.memory_space<vmem>> -> memref<32x128xf32, #tpu.memory_space<vmem>>
    %dma_start3A_363 = arith.constant 0 : i32
    %dma_start3A_364 = tpu.memref_slice %arg4[%dma_start3A_363, %multiple_of3A_356] : memref<32x1000000xf32, #tpu.memory_space<hbm>> -> memref<32x128xf32, #tpu.memory_space<hbm>>
    %dma_start3A_365 = arith.constant 0 : i32
    %dma_start3A_366 = arith.constant 0 : i32
    %dma_start3A_367 = tpu.memref_slice %arg9[%dma_start3A_357, %dma_start3A_358, %dma_start3A_365, %dma_start3A_366] : memref<7x2x32x128xf32, #tpu.memory_space<vmem>> -> memref<1x1x32x128xf32, #tpu.memory_space<vmem>>
    %dma_start3A_368 = tpu.memref_squeeze %dma_start3A_367 : memref<1x1x32x128xf32, #tpu.memory_space<vmem>> -> memref<32x128xf32, #tpu.memory_space<vmem>>
    %dma_start3A_369 = arith.constant 0 : i32
    %dma_start3A_370 = tpu.memref_slice %arg4[%dma_start3A_369, %multiple_of3A_356] : memref<32x1000000xf32, #tpu.memory_space<hbm>> -> memref<32x128xf32, #tpu.memory_space<hbm>>
    tpu.enqueue_dma source(%dma_start3A_370 : memref<32x128xf32, #tpu.memory_space<hbm>>) target(%dma_start3A_368 : memref<32x128xf32, #tpu.memory_space<vmem>>) target_semaphore(%arg12 : memref<!tpu.dma_semaphore, #tpu.memory_space<semaphore_mem>>)
    %eq3A_371 = arith.constant 5 : i32
    %eq3A_372 = vector.broadcast %eq3A_371 : i32 to vector<16xi32>
    %eq3A_373 = arith.cmpi eq, %iota3A, %eq3A_372 : vector<16xi32>
    %jit3A_374 = arith.constant 0 : i32
    %broadcast_in_dim3A_375 = vector.broadcast %jit3A_374 : i32 to vector<16xi32>
    %select_n3A_376 = arith.select %eq3A_373, %get3A_271, %broadcast_in_dim3A_375 : vector<16xi1>, vector<16xi32>
    %reduce_max3A_377 = arith.constant true
    %reduce_max3A_378 = vector.broadcast %reduce_max3A_377 : i1 to vector<16xi1>
    %reduce_max3A_379 = arith.constant -2147483648 : i32
    %reduce_max3A_380 = vector.broadcast %reduce_max3A_379 : i32 to vector<16xi32>
    %reduce_max3A_381 = arith.xori %select_n3A_376, %reduce_max3A_380 : vector<16xi32>
    %reduce_max3A_382 = tpu.scan <max>, %reduce_max3A_381 masked %reduce_max3A_378 : vector<16xi32>, vector<16xi1> -> vector<16xi32>
    %reduce_max3A_383 = arith.xori %reduce_max3A_382, %reduce_max3A_380 : vector<16xi32>
    %reduce_max3A_384 = vector.extract %reduce_max3A_383[15] : i32 from vector<16xi32>
    %shift_right_arithmetic3A_385 = arith.constant 7 : i32
    %shift_right_arithmetic3A_386 = arith.shrsi %reduce_max3A_384, %shift_right_arithmetic3A_385 : i32
    %shift_left3A_387 = arith.constant 7 : i32
    %shift_left3A_388 = arith.shli %shift_right_arithmetic3A_386, %shift_left3A_387 : i32
    %multiple_of3A_389 = tpu.assume_multiple %shift_left3A_388, 128 : i32
    %dma_start3A_390 = arith.constant 2 : i32
    %dma_start3A_391 = arith.constant 1 : i32
    %dma_start3A_392 = arith.constant 0 : i32
    %dma_start3A_393 = arith.constant 0 : i32
    %dma_start3A_394 = tpu.memref_slice %arg10[%dma_start3A_390, %dma_start3A_391, %dma_start3A_392, %dma_start3A_393] : memref<7x2x32x128xf32, #tpu.memory_space<vmem>> -> memref<1x1x32x128xf32, #tpu.memory_space<vmem>>
    %dma_start3A_395 = tpu.memref_squeeze %dma_start3A_394 : memref<1x1x32x128xf32, #tpu.memory_space<vmem>> -> memref<32x128xf32, #tpu.memory_space<vmem>>
    %dma_start3A_396 = arith.constant 0 : i32
    %dma_start3A_397 = tpu.memref_slice %arg5[%dma_start3A_396, %multiple_of3A_389] : memref<32x1000000xf32, #tpu.memory_space<hbm>> -> memref<32x128xf32, #tpu.memory_space<hbm>>
    %dma_start3A_398 = arith.constant 0 : i32
    %dma_start3A_399 = arith.constant 0 : i32
    %dma_start3A_400 = tpu.memref_slice %arg10[%dma_start3A_390, %dma_start3A_391, %dma_start3A_398, %dma_start3A_399] : memref<7x2x32x128xf32, #tpu.memory_space<vmem>> -> memref<1x1x32x128xf32, #tpu.memory_space<vmem>>
    %dma_start3A_401 = tpu.memref_squeeze %dma_start3A_400 : memref<1x1x32x128xf32, #tpu.memory_space<vmem>> -> memref<32x128xf32, #tpu.memory_space<vmem>>
    %dma_start3A_402 = arith.constant 0 : i32
    %dma_start3A_403 = tpu.memref_slice %arg5[%dma_start3A_402, %multiple_of3A_389] : memref<32x1000000xf32, #tpu.memory_space<hbm>> -> memref<32x128xf32, #tpu.memory_space<hbm>>
    tpu.enqueue_dma source(%dma_start3A_403 : memref<32x128xf32, #tpu.memory_space<hbm>>) target(%dma_start3A_401 : memref<32x128xf32, #tpu.memory_space<vmem>>) target_semaphore(%arg13 : memref<!tpu.dma_semaphore, #tpu.memory_space<semaphore_mem>>)
    %get3A_404 = arith.constant 0 : index
    %get3A_405 = tpu.vector_load %arg7[%get3A_404] {strides = array<i32>} : memref<512xi32, #tpu.memory_space<vmem>>, vector<16xi32>,
    %get3A_406 = arith.constant 0 : index
    %get3A_407 = tpu.vector_load %arg8[%get3A_406] {strides = array<i32>} : memref<512xi32, #tpu.memory_space<vmem>>, vector<16xi32>,
    %eq3A_408 = arith.constant 6 : i32
    %eq3A_409 = vector.broadcast %eq3A_408 : i32 to vector<16xi32>
    %eq3A_410 = arith.cmpi eq, %iota3A, %eq3A_409 : vector<16xi32>
    %jit3A_411 = arith.constant 0 : i32
    %broadcast_in_dim3A_412 = vector.broadcast %jit3A_411 : i32 to vector<16xi32>
    %select_n3A_413 = arith.select %eq3A_410, %get3A_405, %broadcast_in_dim3A_412 : vector<16xi1>, vector<16xi32>
    %reduce_max3A_414 = arith.constant true
    %reduce_max3A_415 = vector.broadcast %reduce_max3A_414 : i1 to vector<16xi1>
    %reduce_max3A_416 = arith.constant -2147483648 : i32
    %reduce_max3A_417 = vector.broadcast %reduce_max3A_416 : i32 to vector<16xi32>
    %reduce_max3A_418 = arith.xori %select_n3A_413, %reduce_max3A_417 : vector<16xi32>
    %reduce_max3A_419 = tpu.scan <max>, %reduce_max3A_418 masked %reduce_max3A_415 : vector<16xi32>, vector<16xi1> -> vector<16xi32>
    %reduce_max3A_420 = arith.xori %reduce_max3A_419, %reduce_max3A_417 : vector<16xi32>
    %reduce_max3A_421 = vector.extract %reduce_max3A_420[15] : i32 from vector<16xi32>
    %shift_right_arithmetic3A_422 = arith.constant 7 : i32
    %shift_right_arithmetic3A_423 = arith.shrsi %reduce_max3A_421, %shift_right_arithmetic3A_422 : i32
    %shift_left3A_424 = arith.constant 7 : i32
    %shift_left3A_425 = arith.shli %shift_right_arithmetic3A_423, %shift_left3A_424 : i32
    %multiple_of3A_426 = tpu.assume_multiple %shift_left3A_425, 128 : i32
    %dma_start3A_427 = arith.constant 3 : i32
    %dma_start3A_428 = arith.constant 0 : i32
    %dma_start3A_429 = arith.constant 0 : i32
    %dma_start3A_430 = arith.constant 0 : i32
    %dma_start3A_431 = tpu.memref_slice %arg9[%dma_start3A_427, %dma_start3A_428, %dma_start3A_429, %dma_start3A_430] : memref<7x2x32x128xf32, #tpu.memory_space<vmem>> -> memref<1x1x32x128xf32, #tpu.memory_space<vmem>>
    %dma_start3A_432 = tpu.memref_squeeze %dma_start3A_431 : memref<1x1x32x128xf32, #tpu.memory_space<vmem>> -> memref<32x128xf32, #tpu.memory_space<vmem>>
    %dma_start3A_433 = arith.constant 0 : i32
    %dma_start3A_434 = tpu.memref_slice %arg4[%dma_start3A_433, %multiple_of3A_426] : memref<32x1000000xf32, #tpu.memory_space<hbm>> -> memref<32x128xf32, #tpu.memory_space<hbm>>
    %dma_start3A_435 = arith.constant 0 : i32
    %dma_start3A_436 = arith.constant 0 : i32
    %dma_start3A_437 = tpu.memref_slice %arg9[%dma_start3A_427, %dma_start3A_428, %dma_start3A_435, %dma_start3A_436] : memref<7x2x32x128xf32, #tpu.memory_space<vmem>> -> memref<1x1x32x128xf32, #tpu.memory_space<vmem>>
    %dma_start3A_438 = tpu.memref_squeeze %dma_start3A_437 : memref<1x1x32x128xf32, #tpu.memory_space<vmem>> -> memref<32x128xf32, #tpu.memory_space<vmem>>
    %dma_start3A_439 = arith.constant 0 : i32
    %dma_start3A_440 = tpu.memref_slice %arg4[%dma_start3A_439, %multiple_of3A_426] : memref<32x1000000xf32, #tpu.memory_space<hbm>> -> memref<32x128xf32, #tpu.memory_space<hbm>>
    tpu.enqueue_dma source(%dma_start3A_440 : memref<32x128xf32, #tpu.memory_space<hbm>>) target(%dma_start3A_438 : memref<32x128xf32, #tpu.memory_space<vmem>>) target_semaphore(%arg12 : memref<!tpu.dma_semaphore, #tpu.memory_space<semaphore_mem>>)
    %eq3A_441 = arith.constant 6 : i32
    %eq3A_442 = vector.broadcast %eq3A_441 : i32 to vector<16xi32>
    %eq3A_443 = arith.cmpi eq, %iota3A, %eq3A_442 : vector<16xi32>
    %jit3A_444 = arith.constant 0 : i32
    %broadcast_in_dim3A_445 = vector.broadcast %jit3A_444 : i32 to vector<16xi32>
    %select_n3A_446 = arith.select %eq3A_443, %get3A_407, %broadcast_in_dim3A_445 : vector<16xi1>, vector<16xi32>
    %reduce_max3A_447 = arith.constant true
    %reduce_max3A_448 = vector.broadcast %reduce_max3A_447 : i1 to vector<16xi1>
    %reduce_max3A_449 = arith.constant -2147483648 : i32
    %reduce_max3A_450 = vector.broadcast %reduce_max3A_449 : i32 to vector<16xi32>
    %reduce_max3A_451 = arith.xori %select_n3A_446, %reduce_max3A_450 : vector<16xi32>
    %reduce_max3A_452 = tpu.scan <max>, %reduce_max3A_451 masked %reduce_max3A_448 : vector<16xi32>, vector<16xi1> -> vector<16xi32>
    %reduce_max3A_453 = arith.xori %reduce_max3A_452, %reduce_max3A_450 : vector<16xi32>
    %reduce_max3A_454 = vector.extract %reduce_max3A_453[15] : i32 from vector<16xi32>
    %shift_right_arithmetic3A_455 = arith.constant 7 : i32
    %shift_right_arithmetic3A_456 = arith.shrsi %reduce_max3A_454, %shift_right_arithmetic3A_455 : i32
    %shift_left3A_457 = arith.constant 7 : i32
    %shift_left3A_458 = arith.shli %shift_right_arithmetic3A_456, %shift_left3A_457 : i32
    %multiple_of3A_459 = tpu.assume_multiple %shift_left3A_458, 128 : i32
    %dma_start3A_460 = arith.constant 3 : i32
    %dma_start3A_461 = arith.constant 0 : i32
    %dma_start3A_462 = arith.constant 0 : i32
    %dma_start3A_463 = arith.constant 0 : i32
    %dma_start3A_464 = tpu.memref_slice %arg10[%dma_start3A_460, %dma_start3A_461, %dma_start3A_462, %dma_start3A_463] : memref<7x2x32x128xf32, #tpu.memory_space<vmem>> -> memref<1x1x32x128xf32, #tpu.memory_space<vmem>>
    %dma_start3A_465 = tpu.memref_squeeze %dma_start3A_464 : memref<1x1x32x128xf32, #tpu.memory_space<vmem>> -> memref<32x128xf32, #tpu.memory_space<vmem>>
    %dma_start3A_466 = arith.constant 0 : i32
    %dma_start3A_467 = tpu.memref_slice %arg5[%dma_start3A_466, %multiple_of3A_459] : memref<32x1000000xf32, #tpu.memory_space<hbm>> -> memref<32x128xf32, #tpu.memory_space<hbm>>
    %dma_start3A_468 = arith.constant 0 : i32
    %dma_start3A_469 = arith.constant 0 : i32
    %dma_start3A_470 = tpu.memref_slice %arg10[%dma_start3A_460, %dma_start3A_461, %dma_start3A_468, %dma_start3A_469] : memref<7x2x32x128xf32, #tpu.memory_space<vmem>> -> memref<1x1x32x128xf32, #tpu.memory_space<vmem>>
    %dma_start3A_471 = tpu.memref_squeeze %dma_start3A_470 : memref<1x1x32x128xf32, #tpu.memory_space<vmem>> -> memref<32x128xf32, #tpu.memory_space<vmem>>
    %dma_start3A_472 = arith.constant 0 : i32
    %dma_start3A_473 = tpu.memref_slice %arg5[%dma_start3A_472, %multiple_of3A_459] : memref<32x1000000xf32, #tpu.memory_space<hbm>> -> memref<32x128xf32, #tpu.memory_space<hbm>>
    tpu.enqueue_dma source(%dma_start3A_473 : memref<32x128xf32, #tpu.memory_space<hbm>>) target(%dma_start3A_471 : memref<32x128xf32, #tpu.memory_space<vmem>>) target_semaphore(%arg13 : memref<!tpu.dma_semaphore, #tpu.memory_space<semaphore_mem>>)
    %eq3A_474 = arith.constant 7 : i32
    %eq3A_475 = vector.broadcast %eq3A_474 : i32 to vector<16xi32>
    %eq3A_476 = arith.cmpi eq, %iota3A, %eq3A_475 : vector<16xi32>
    %jit3A_477 = arith.constant 0 : i32
    %broadcast_in_dim3A_478 = vector.broadcast %jit3A_477 : i32 to vector<16xi32>
    %select_n3A_479 = arith.select %eq3A_476, %get3A_405, %broadcast_in_dim3A_478 : vector<16xi1>, vector<16xi32>
    %reduce_max3A_480 = arith.constant true
    %reduce_max3A_481 = vector.broadcast %reduce_max3A_480 : i1 to vector<16xi1>
    %reduce_max3A_482 = arith.constant -2147483648 : i32
    %reduce_max3A_483 = vector.broadcast %reduce_max3A_482 : i32 to vector<16xi32>
    %reduce_max3A_484 = arith.xori %select_n3A_479, %reduce_max3A_483 : vector<16xi32>
    %reduce_max3A_485 = tpu.scan <max>, %reduce_max3A_484 masked %reduce_max3A_481 : vector<16xi32>, vector<16xi1> -> vector<16xi32>
    %reduce_max3A_486 = arith.xori %reduce_max3A_485, %reduce_max3A_483 : vector<16xi32>
    %reduce_max3A_487 = vector.extract %reduce_max3A_486[15] : i32 from vector<16xi32>
    %shift_right_arithmetic3A_488 = arith.constant 7 : i32
    %shift_right_arithmetic3A_489 = arith.shrsi %reduce_max3A_487, %shift_right_arithmetic3A_488 : i32
    %shift_left3A_490 = arith.constant 7 : i32
    %shift_left3A_491 = arith.shli %shift_right_arithmetic3A_489, %shift_left3A_490 : i32
    %multiple_of3A_492 = tpu.assume_multiple %shift_left3A_491, 128 : i32
    %dma_start3A_493 = arith.constant 3 : i32
    %dma_start3A_494 = arith.constant 1 : i32
    %dma_start3A_495 = arith.constant 0 : i32
    %dma_start3A_496 = arith.constant 0 : i32
    %dma_start3A_497 = tpu.memref_slice %arg9[%dma_start3A_493, %dma_start3A_494, %dma_start3A_495, %dma_start3A_496] : memref<7x2x32x128xf32, #tpu.memory_space<vmem>> -> memref<1x1x32x128xf32, #tpu.memory_space<vmem>>
    %dma_start3A_498 = tpu.memref_squeeze %dma_start3A_497 : memref<1x1x32x128xf32, #tpu.memory_space<vmem>> -> memref<32x128xf32, #tpu.memory_space<vmem>>
    %dma_start3A_499 = arith.constant 0 : i32
    %dma_start3A_500 = tpu.memref_slice %arg4[%dma_start3A_499, %multiple_of3A_492] : memref<32x1000000xf32, #tpu.memory_space<hbm>> -> memref<32x128xf32, #tpu.memory_space<hbm>>
    %dma_start3A_501 = arith.constant 0 : i32
    %dma_start3A_502 = arith.constant 0 : i32
    %dma_start3A_503 = tpu.memref_slice %arg9[%dma_start3A_493, %dma_start3A_494, %dma_start3A_501, %dma_start3A_502] : memref<7x2x32x128xf32, #tpu.memory_space<vmem>> -> memref<1x1x32x128xf32, #tpu.memory_space<vmem>>
    %dma_start3A_504 = tpu.memref_squeeze %dma_start3A_503 : memref<1x1x32x128xf32, #tpu.memory_space<vmem>> -> memref<32x128xf32, #tpu.memory_space<vmem>>
    %dma_start3A_505 = arith.constant 0 : i32
    %dma_start3A_506 = tpu.memref_slice %arg4[%dma_start3A_505, %multiple_of3A_492] : memref<32x1000000xf32, #tpu.memory_space<hbm>> -> memref<32x128xf32, #tpu.memory_space<hbm>>
    tpu.enqueue_dma source(%dma_start3A_506 : memref<32x128xf32, #tpu.memory_space<hbm>>) target(%dma_start3A_504 : memref<32x128xf32, #tpu.memory_space<vmem>>) target_semaphore(%arg12 : memref<!tpu.dma_semaphore, #tpu.memory_space<semaphore_mem>>)
    %eq3A_507 = arith.constant 7 : i32
    %eq3A_508 = vector.broadcast %eq3A_507 : i32 to vector<16xi32>
    %eq3A_509 = arith.cmpi eq, %iota3A, %eq3A_508 : vector<16xi32>
    %jit3A_510 = arith.constant 0 : i32
    %broadcast_in_dim3A_511 = vector.broadcast %jit3A_510 : i32 to vector<16xi32>
    %select_n3A_512 = arith.select %eq3A_509, %get3A_407, %broadcast_in_dim3A_511 : vector<16xi1>, vector<16xi32>
    %reduce_max3A_513 = arith.constant true
    %reduce_max3A_514 = vector.broadcast %reduce_max3A_513 : i1 to vector<16xi1>
    %reduce_max3A_515 = arith.constant -2147483648 : i32
    %reduce_max3A_516 = vector.broadcast %reduce_max3A_515 : i32 to vector<16xi32>
    %reduce_max3A_517 = arith.xori %select_n3A_512, %reduce_max3A_516 : vector<16xi32>
    %reduce_max3A_518 = tpu.scan <max>, %reduce_max3A_517 masked %reduce_max3A_514 : vector<16xi32>, vector<16xi1> -> vector<16xi32>
    %reduce_max3A_519 = arith.xori %reduce_max3A_518, %reduce_max3A_516 : vector<16xi32>
    %reduce_max3A_520 = vector.extract %reduce_max3A_519[15] : i32 from vector<16xi32>
    %shift_right_arithmetic3A_521 = arith.constant 7 : i32
    %shift_right_arithmetic3A_522 = arith.shrsi %reduce_max3A_520, %shift_right_arithmetic3A_521 : i32
    %shift_left3A_523 = arith.constant 7 : i32
    %shift_left3A_524 = arith.shli %shift_right_arithmetic3A_522, %shift_left3A_523 : i32
    %multiple_of3A_525 = tpu.assume_multiple %shift_left3A_524, 128 : i32
    %dma_start3A_526 = arith.constant 3 : i32
    %dma_start3A_527 = arith.constant 1 : i32
    %dma_start3A_528 = arith.constant 0 : i32
    %dma_start3A_529 = arith.constant 0 : i32
    %dma_start3A_530 = tpu.memref_slice %arg10[%dma_start3A_526, %dma_start3A_527, %dma_start3A_528, %dma_start3A_529] : memref<7x2x32x128xf32, #tpu.memory_space<vmem>> -> memref<1x1x32x128xf32, #tpu.memory_space<vmem>>
    %dma_start3A_531 = tpu.memref_squeeze %dma_start3A_530 : memref<1x1x32x128xf32, #tpu.memory_space<vmem>> -> memref<32x128xf32, #tpu.memory_space<vmem>>
    %dma_start3A_532 = arith.constant 0 : i32
    %dma_start3A_533 = tpu.memref_slice %arg5[%dma_start3A_532, %multiple_of3A_525] : memref<32x1000000xf32, #tpu.memory_space<hbm>> -> memref<32x128xf32, #tpu.memory_space<hbm>>
    %dma_start3A_534 = arith.constant 0 : i32
    %dma_start3A_535 = arith.constant 0 : i32
    %dma_start3A_536 = tpu.memref_slice %arg10[%dma_start3A_526, %dma_start3A_527, %dma_start3A_534, %dma_start3A_535] : memref<7x2x32x128xf32, #tpu.memory_space<vmem>> -> memref<1x1x32x128xf32, #tpu.memory_space<vmem>>
    %dma_start3A_537 = tpu.memref_squeeze %dma_start3A_536 : memref<1x1x32x128xf32, #tpu.memory_space<vmem>> -> memref<32x128xf32, #tpu.memory_space<vmem>>
    %dma_start3A_538 = arith.constant 0 : i32
    %dma_start3A_539 = tpu.memref_slice %arg5[%dma_start3A_538, %multiple_of3A_525] : memref<32x1000000xf32, #tpu.memory_space<hbm>> -> memref<32x128xf32, #tpu.memory_space<hbm>>
    tpu.enqueue_dma source(%dma_start3A_539 : memref<32x128xf32, #tpu.memory_space<hbm>>) target(%dma_start3A_537 : memref<32x128xf32, #tpu.memory_space<vmem>>) target_semaphore(%arg13 : memref<!tpu.dma_semaphore, #tpu.memory_space<semaphore_mem>>)
    %get3A_540 = arith.constant 0 : index
    %get3A_541 = tpu.vector_load %arg7[%get3A_540] {strides = array<i32>} : memref<512xi32, #tpu.memory_space<vmem>>, vector<16xi32>,
    %get3A_542 = arith.constant 0 : index
    %get3A_543 = tpu.vector_load %arg8[%get3A_542] {strides = array<i32>} : memref<512xi32, #tpu.memory_space<vmem>>, vector<16xi32>,
    %eq3A_544 = arith.constant 8 : i32
    %eq3A_545 = vector.broadcast %eq3A_544 : i32 to vector<16xi32>
    %eq3A_546 = arith.cmpi eq, %iota3A, %eq3A_545 : vector<16xi32>
    %jit3A_547 = arith.constant 0 : i32
    %broadcast_in_dim3A_548 = vector.broadcast %jit3A_547 : i32 to vector<16xi32>
    %select_n3A_549 = arith.select %eq3A_546, %get3A_541, %broadcast_in_dim3A_548 : vector<16xi1>, vector<16xi32>
    %reduce_max3A_550 = arith.constant true
    %reduce_max3A_551 = vector.broadcast %reduce_max3A_550 : i1 to vector<16xi1>
    %reduce_max3A_552 = arith.constant -2147483648 : i32
    %reduce_max3A_553 = vector.broadcast %reduce_max3A_552 : i32 to vector<16xi32>
    %reduce_max3A_554 = arith.xori %select_n3A_549, %reduce_max3A_553 : vector<16xi32>
    %reduce_max3A_555 = tpu.scan <max>, %reduce_max3A_554 masked %reduce_max3A_551 : vector<16xi32>, vector<16xi1> -> vector<16xi32>
    %reduce_max3A_556 = arith.xori %reduce_max3A_555, %reduce_max3A_553 : vector<16xi32>
    %reduce_max3A_557 = vector.extract %reduce_max3A_556[15] : i32 from vector<16xi32>
    %shift_right_arithmetic3A_558 = arith.constant 7 : i32
    %shift_right_arithmetic3A_559 = arith.shrsi %reduce_max3A_557, %shift_right_arithmetic3A_558 : i32
    %shift_left3A_560 = arith.constant 7 : i32
    %shift_left3A_561 = arith.shli %shift_right_arithmetic3A_559, %shift_left3A_560 : i32
    %multiple_of3A_562 = tpu.assume_multiple %shift_left3A_561, 128 : i32
    %dma_start3A_563 = arith.constant 4 : i32
    %dma_start3A_564 = arith.constant 0 : i32
    %dma_start3A_565 = arith.constant 0 : i32
    %dma_start3A_566 = arith.constant 0 : i32
    %dma_start3A_567 = tpu.memref_slice %arg9[%dma_start3A_563, %dma_start3A_564, %dma_start3A_565, %dma_start3A_566] : memref<7x2x32x128xf32, #tpu.memory_space<vmem>> -> memref<1x1x32x128xf32, #tpu.memory_space<vmem>>
    %dma_start3A_568 = tpu.memref_squeeze %dma_start3A_567 : memref<1x1x32x128xf32, #tpu.memory_space<vmem>> -> memref<32x128xf32, #tpu.memory_space<vmem>>
    %dma_start3A_569 = arith.constant 0 : i32
    %dma_start3A_570 = tpu.memref_slice %arg4[%dma_start3A_569, %multiple_of3A_562] : memref<32x1000000xf32, #tpu.memory_space<hbm>> -> memref<32x128xf32, #tpu.memory_space<hbm>>
    %dma_start3A_571 = arith.constant 0 : i32
    %dma_start3A_572 = arith.constant 0 : i32
    %dma_start3A_573 = tpu.memref_slice %arg9[%dma_start3A_563, %dma_start3A_564, %dma_start3A_571, %dma_start3A_572] : memref<7x2x32x128xf32, #tpu.memory_space<vmem>> -> memref<1x1x32x128xf32, #tpu.memory_space<vmem>>
    %dma_start3A_574 = tpu.memref_squeeze %dma_start3A_573 : memref<1x1x32x128xf32, #tpu.memory_space<vmem>> -> memref<32x128xf32, #tpu.memory_space<vmem>>
    %dma_start3A_575 = arith.constant 0 : i32
    %dma_start3A_576 = tpu.memref_slice %arg4[%dma_start3A_575, %multiple_of3A_562] : memref<32x1000000xf32, #tpu.memory_space<hbm>> -> memref<32x128xf32, #tpu.memory_space<hbm>>
    tpu.enqueue_dma source(%dma_start3A_576 : memref<32x128xf32, #tpu.memory_space<hbm>>) target(%dma_start3A_574 : memref<32x128xf32, #tpu.memory_space<vmem>>) target_semaphore(%arg12 : memref<!tpu.dma_semaphore, #tpu.memory_space<semaphore_mem>>)
    %eq3A_577 = arith.constant 8 : i32
    %eq3A_578 = vector.broadcast %eq3A_577 : i32 to vector<16xi32>
    %eq3A_579 = arith.cmpi eq, %iota3A, %eq3A_578 : vector<16xi32>
    %jit3A_580 = arith.constant 0 : i32
    %broadcast_in_dim3A_581 = vector.broadcast %jit3A_580 : i32 to vector<16xi32>
    %select_n3A_582 = arith.select %eq3A_579, %get3A_543, %broadcast_in_dim3A_581 : vector<16xi1>, vector<16xi32>
    %reduce_max3A_583 = arith.constant true
    %reduce_max3A_584 = vector.broadcast %reduce_max3A_583 : i1 to vector<16xi1>
    %reduce_max3A_585 = arith.constant -2147483648 : i32
    %reduce_max3A_586 = vector.broadcast %reduce_max3A_585 : i32 to vector<16xi32>
    %reduce_max3A_587 = arith.xori %select_n3A_582, %reduce_max3A_586 : vector<16xi32>
    %reduce_max3A_588 = tpu.scan <max>, %reduce_max3A_587 masked %reduce_max3A_584 : vector<16xi32>, vector<16xi1> -> vector<16xi32>
    %reduce_max3A_589 = arith.xori %reduce_max3A_588, %reduce_max3A_586 : vector<16xi32>
    %reduce_max3A_590 = vector.extract %reduce_max3A_589[15] : i32 from vector<16xi32>
    %shift_right_arithmetic3A_591 = arith.constant 7 : i32
    %shift_right_arithmetic3A_592 = arith.shrsi %reduce_max3A_590, %shift_right_arithmetic3A_591 : i32
    %shift_left3A_593 = arith.constant 7 : i32
    %shift_left3A_594 = arith.shli %shift_right_arithmetic3A_592, %shift_left3A_593 : i32
    %multiple_of3A_595 = tpu.assume_multiple %shift_left3A_594, 128 : i32
    %dma_start3A_596 = arith.constant 4 : i32
    %dma_start3A_597 = arith.constant 0 : i32
    %dma_start3A_598 = arith.constant 0 : i32
    %dma_start3A_599 = arith.constant 0 : i32
    %dma_start3A_600 = tpu.memref_slice %arg10[%dma_start3A_596, %dma_start3A_597, %dma_start3A_598, %dma_start3A_599] : memref<7x2x32x128xf32, #tpu.memory_space<vmem>> -> memref<1x1x32x128xf32, #tpu.memory_space<vmem>>
    %dma_start3A_601 = tpu.memref_squeeze %dma_start3A_600 : memref<1x1x32x128xf32, #tpu.memory_space<vmem>> -> memref<32x128xf32, #tpu.memory_space<vmem>>
    %dma_start3A_602 = arith.constant 0 : i32
    %dma_start3A_603 = tpu.memref_slice %arg5[%dma_start3A_602, %multiple_of3A_595] : memref<32x1000000xf32, #tpu.memory_space<hbm>> -> memref<32x128xf32, #tpu.memory_space<hbm>>
    %dma_start3A_604 = arith.constant 0 : i32
    %dma_start3A_605 = arith.constant 0 : i32
    %dma_start3A_606 = tpu.memref_slice %arg10[%dma_start3A_596, %dma_start3A_597, %dma_start3A_604, %dma_start3A_605] : memref<7x2x32x128xf32, #tpu.memory_space<vmem>> -> memref<1x1x32x128xf32, #tpu.memory_space<vmem>>
    %dma_start3A_607 = tpu.memref_squeeze %dma_start3A_606 : memref<1x1x32x128xf32, #tpu.memory_space<vmem>> -> memref<32x128xf32, #tpu.memory_space<vmem>>
    %dma_start3A_608 = arith.constant 0 : i32
    %dma_start3A_609 = tpu.memref_slice %arg5[%dma_start3A_608, %multiple_of3A_595] : memref<32x1000000xf32, #tpu.memory_space<hbm>> -> memref<32x128xf32, #tpu.memory_space<hbm>>
    tpu.enqueue_dma source(%dma_start3A_609 : memref<32x128xf32, #tpu.memory_space<hbm>>) target(%dma_start3A_607 : memref<32x128xf32, #tpu.memory_space<vmem>>) target_semaphore(%arg13 : memref<!tpu.dma_semaphore, #tpu.memory_space<semaphore_mem>>)
    %eq3A_610 = arith.constant 9 : i32
    %eq3A_611 = vector.broadcast %eq3A_610 : i32 to vector<16xi32>
    %eq3A_612 = arith.cmpi eq, %iota3A, %eq3A_611 : vector<16xi32>
    %jit3A_613 = arith.constant 0 : i32
    %broadcast_in_dim3A_614 = vector.broadcast %jit3A_613 : i32 to vector<16xi32>
    %select_n3A_615 = arith.select %eq3A_612, %get3A_541, %broadcast_in_dim3A_614 : vector<16xi1>, vector<16xi32>
    %reduce_max3A_616 = arith.constant true
    %reduce_max3A_617 = vector.broadcast %reduce_max3A_616 : i1 to vector<16xi1>
    %reduce_max3A_618 = arith.constant -2147483648 : i32
    %reduce_max3A_619 = vector.broadcast %reduce_max3A_618 : i32 to vector<16xi32>
    %reduce_max3A_620 = arith.xori %select_n3A_615, %reduce_max3A_619 : vector<16xi32>
    %reduce_max3A_621 = tpu.scan <max>, %reduce_max3A_620 masked %reduce_max3A_617 : vector<16xi32>, vector<16xi1> -> vector<16xi32>
    %reduce_max3A_622 = arith.xori %reduce_max3A_621, %reduce_max3A_619 : vector<16xi32>
    %reduce_max3A_623 = vector.extract %reduce_max3A_622[15] : i32 from vector<16xi32>
    %shift_right_arithmetic3A_624 = arith.constant 7 : i32
    %shift_right_arithmetic3A_625 = arith.shrsi %reduce_max3A_623, %shift_right_arithmetic3A_624 : i32
    %shift_left3A_626 = arith.constant 7 : i32
    %shift_left3A_627 = arith.shli %shift_right_arithmetic3A_625, %shift_left3A_626 : i32
    %multiple_of3A_628 = tpu.assume_multiple %shift_left3A_627, 128 : i32
    %dma_start3A_629 = arith.constant 4 : i32
    %dma_start3A_630 = arith.constant 1 : i32
    %dma_start3A_631 = arith.constant 0 : i32
    %dma_start3A_632 = arith.constant 0 : i32
    %dma_start3A_633 = tpu.memref_slice %arg9[%dma_start3A_629, %dma_start3A_630, %dma_start3A_631, %dma_start3A_632] : memref<7x2x32x128xf32, #tpu.memory_space<vmem>> -> memref<1x1x32x128xf32, #tpu.memory_space<vmem>>
    %dma_start3A_634 = tpu.memref_squeeze %dma_start3A_633 : memref<1x1x32x128xf32, #tpu.memory_space<vmem>> -> memref<32x128xf32, #tpu.memory_space<vmem>>
    %dma_start3A_635 = arith.constant 0 : i32
    %dma_start3A_636 = tpu.memref_slice %arg4[%dma_start3A_635, %multiple_of3A_628] : memref<32x1000000xf32, #tpu.memory_space<hbm>> -> memref<32x128xf32, #tpu.memory_space<hbm>>
    %dma_start3A_637 = arith.constant 0 : i32
    %dma_start3A_638 = arith.constant 0 : i32
    %dma_start3A_639 = tpu.memref_slice %arg9[%dma_start3A_629, %dma_start3A_630, %dma_start3A_637, %dma_start3A_638] : memref<7x2x32x128xf32, #tpu.memory_space<vmem>> -> memref<1x1x32x128xf32, #tpu.memory_space<vmem>>
    %dma_start3A_640 = tpu.memref_squeeze %dma_start3A_639 : memref<1x1x32x128xf32, #tpu.memory_space<vmem>> -> memref<32x128xf32, #tpu.memory_space<vmem>>
    %dma_start3A_641 = arith.constant 0 : i32
    %dma_start3A_642 = tpu.memref_slice %arg4[%dma_start3A_641, %multiple_of3A_628] : memref<32x1000000xf32, #tpu.memory_space<hbm>> -> memref<32x128xf32, #tpu.memory_space<hbm>>
    tpu.enqueue_dma source(%dma_start3A_642 : memref<32x128xf32, #tpu.memory_space<hbm>>) target(%dma_start3A_640 : memref<32x128xf32, #tpu.memory_space<vmem>>) target_semaphore(%arg12 : memref<!tpu.dma_semaphore, #tpu.memory_space<semaphore_mem>>)
    %eq3A_643 = arith.constant 9 : i32
    %eq3A_644 = vector.broadcast %eq3A_643 : i32 to vector<16xi32>
    %eq3A_645 = arith.cmpi eq, %iota3A, %eq3A_644 : vector<16xi32>
    %jit3A_646 = arith.constant 0 : i32
    %broadcast_in_dim3A_647 = vector.broadcast %jit3A_646 : i32 to vector<16xi32>
    %select_n3A_648 = arith.select %eq3A_645, %get3A_543, %broadcast_in_dim3A_647 : vector<16xi1>, vector<16xi32>
    %reduce_max3A_649 = arith.constant true
    %reduce_max3A_650 = vector.broadcast %reduce_max3A_649 : i1 to vector<16xi1>
    %reduce_max3A_651 = arith.constant -2147483648 : i32
    %reduce_max3A_652 = vector.broadcast %reduce_max3A_651 : i32 to vector<16xi32>
    %reduce_max3A_653 = arith.xori %select_n3A_648, %reduce_max3A_652 : vector<16xi32>
    %reduce_max3A_654 = tpu.scan <max>, %reduce_max3A_653 masked %reduce_max3A_650 : vector<16xi32>, vector<16xi1> -> vector<16xi32>
    %reduce_max3A_655 = arith.xori %reduce_max3A_654, %reduce_max3A_652 : vector<16xi32>
    %reduce_max3A_656 = vector.extract %reduce_max3A_655[15] : i32 from vector<16xi32>
    %shift_right_arithmetic3A_657 = arith.constant 7 : i32
    %shift_right_arithmetic3A_658 = arith.shrsi %reduce_max3A_656, %shift_right_arithmetic3A_657 : i32
    %shift_left3A_659 = arith.constant 7 : i32
    %shift_left3A_660 = arith.shli %shift_right_arithmetic3A_658, %shift_left3A_659 : i32
    %multiple_of3A_661 = tpu.assume_multiple %shift_left3A_660, 128 : i32
    %dma_start3A_662 = arith.constant 4 : i32
    %dma_start3A_663 = arith.constant 1 : i32
    %dma_start3A_664 = arith.constant 0 : i32
    %dma_start3A_665 = arith.constant 0 : i32
    %dma_start3A_666 = tpu.memref_slice %arg10[%dma_start3A_662, %dma_start3A_663, %dma_start3A_664, %dma_start3A_665] : memref<7x2x32x128xf32, #tpu.memory_space<vmem>> -> memref<1x1x32x128xf32, #tpu.memory_space<vmem>>
    %dma_start3A_667 = tpu.memref_squeeze %dma_start3A_666 : memref<1x1x32x128xf32, #tpu.memory_space<vmem>> -> memref<32x128xf32, #tpu.memory_space<vmem>>
    %dma_start3A_668 = arith.constant 0 : i32
    %dma_start3A_669 = tpu.memref_slice %arg5[%dma_start3A_668, %multiple_of3A_661] : memref<32x1000000xf32, #tpu.memory_space<hbm>> -> memref<32x128xf32, #tpu.memory_space<hbm>>
    %dma_start3A_670 = arith.constant 0 : i32
    %dma_start3A_671 = arith.constant 0 : i32
    %dma_start3A_672 = tpu.memref_slice %arg10[%dma_start3A_662, %dma_start3A_663, %dma_start3A_670, %dma_start3A_671] : memref<7x2x32x128xf32, #tpu.memory_space<vmem>> -> memref<1x1x32x128xf32, #tpu.memory_space<vmem>>
    %dma_start3A_673 = tpu.memref_squeeze %dma_start3A_672 : memref<1x1x32x128xf32, #tpu.memory_space<vmem>> -> memref<32x128xf32, #tpu.memory_space<vmem>>
    %dma_start3A_674 = arith.constant 0 : i32
    %dma_start3A_675 = tpu.memref_slice %arg5[%dma_start3A_674, %multiple_of3A_661] : memref<32x1000000xf32, #tpu.memory_space<hbm>> -> memref<32x128xf32, #tpu.memory_space<hbm>>
    tpu.enqueue_dma source(%dma_start3A_675 : memref<32x128xf32, #tpu.memory_space<hbm>>) target(%dma_start3A_673 : memref<32x128xf32, #tpu.memory_space<vmem>>) target_semaphore(%arg13 : memref<!tpu.dma_semaphore, #tpu.memory_space<semaphore_mem>>)
    %get3A_676 = arith.constant 0 : index
    %get3A_677 = tpu.vector_load %arg7[%get3A_676] {strides = array<i32>} : memref<512xi32, #tpu.memory_space<vmem>>, vector<16xi32>,
    %get3A_678 = arith.constant 0 : index
    %get3A_679 = tpu.vector_load %arg8[%get3A_678] {strides = array<i32>} : memref<512xi32, #tpu.memory_space<vmem>>, vector<16xi32>,
    %eq3A_680 = arith.constant 10 : i32
    %eq3A_681 = vector.broadcast %eq3A_680 : i32 to vector<16xi32>
    %eq3A_682 = arith.cmpi eq, %iota3A, %eq3A_681 : vector<16xi32>
    %jit3A_683 = arith.constant 0 : i32
    %broadcast_in_dim3A_684 = vector.broadcast %jit3A_683 : i32 to vector<16xi32>
    %select_n3A_685 = arith.select %eq3A_682, %get3A_677, %broadcast_in_dim3A_684 : vector<16xi1>, vector<16xi32>
    %reduce_max3A_686 = arith.constant true
    %reduce_max3A_687 = vector.broadcast %reduce_max3A_686 : i1 to vector<16xi1>
    %reduce_max3A_688 = arith.constant -2147483648 : i32
    %reduce_max3A_689 = vector.broadcast %reduce_max3A_688 : i32 to vector<16xi32>
    %reduce_max3A_690 = arith.xori %select_n3A_685, %reduce_max3A_689 : vector<16xi32>
    %reduce_max3A_691 = tpu.scan <max>, %reduce_max3A_690 masked %reduce_max3A_687 : vector<16xi32>, vector<16xi1> -> vector<16xi32>
    %reduce_max3A_692 = arith.xori %reduce_max3A_691, %reduce_max3A_689 : vector<16xi32>
    %reduce_max3A_693 = vector.extract %reduce_max3A_692[15] : i32 from vector<16xi32>
    %shift_right_arithmetic3A_694 = arith.constant 7 : i32
    %shift_right_arithmetic3A_695 = arith.shrsi %reduce_max3A_693, %shift_right_arithmetic3A_694 : i32
    %shift_left3A_696 = arith.constant 7 : i32
    %shift_left3A_697 = arith.shli %shift_right_arithmetic3A_695, %shift_left3A_696 : i32
    %multiple_of3A_698 = tpu.assume_multiple %shift_left3A_697, 128 : i32
    %dma_start3A_699 = arith.constant 5 : i32
    %dma_start3A_700 = arith.constant 0 : i32
    %dma_start3A_701 = arith.constant 0 : i32
    %dma_start3A_702 = arith.constant 0 : i32
    %dma_start3A_703 = tpu.memref_slice %arg9[%dma_start3A_699, %dma_start3A_700, %dma_start3A_701, %dma_start3A_702] : memref<7x2x32x128xf32, #tpu.memory_space<vmem>> -> memref<1x1x32x128xf32, #tpu.memory_space<vmem>>
    %dma_start3A_704 = tpu.memref_squeeze %dma_start3A_703 : memref<1x1x32x128xf32, #tpu.memory_space<vmem>> -> memref<32x128xf32, #tpu.memory_space<vmem>>
    %dma_start3A_705 = arith.constant 0 : i32
    %dma_start3A_706 = tpu.memref_slice %arg4[%dma_start3A_705, %multiple_of3A_698] : memref<32x1000000xf32, #tpu.memory_space<hbm>> -> memref<32x128xf32, #tpu.memory_space<hbm>>
    %dma_start3A_707 = arith.constant 0 : i32
    %dma_start3A_708 = arith.constant 0 : i32
    %dma_start3A_709 = tpu.memref_slice %arg9[%dma_start3A_699, %dma_start3A_700, %dma_start3A_707, %dma_start3A_708] : memref<7x2x32x128xf32, #tpu.memory_space<vmem>> -> memref<1x1x32x128xf32, #tpu.memory_space<vmem>>
    %dma_start3A_710 = tpu.memref_squeeze %dma_start3A_709 : memref<1x1x32x128xf32, #tpu.memory_space<vmem>> -> memref<32x128xf32, #tpu.memory_space<vmem>>
    %dma_start3A_711 = arith.constant 0 : i32
    %dma_start3A_712 = tpu.memref_slice %arg4[%dma_start3A_711, %multiple_of3A_698] : memref<32x1000000xf32, #tpu.memory_space<hbm>> -> memref<32x128xf32, #tpu.memory_space<hbm>>
    tpu.enqueue_dma source(%dma_start3A_712 : memref<32x128xf32, #tpu.memory_space<hbm>>) target(%dma_start3A_710 : memref<32x128xf32, #tpu.memory_space<vmem>>) target_semaphore(%arg12 : memref<!tpu.dma_semaphore, #tpu.memory_space<semaphore_mem>>)
    %eq3A_713 = arith.constant 10 : i32
    %eq3A_714 = vector.broadcast %eq3A_713 : i32 to vector<16xi32>
    %eq3A_715 = arith.cmpi eq, %iota3A, %eq3A_714 : vector<16xi32>
    %jit3A_716 = arith.constant 0 : i32
    %broadcast_in_dim3A_717 = vector.broadcast %jit3A_716 : i32 to vector<16xi32>
    %select_n3A_718 = arith.select %eq3A_715, %get3A_679, %broadcast_in_dim3A_717 : vector<16xi1>, vector<16xi32>
    %reduce_max3A_719 = arith.constant true
    %reduce_max3A_720 = vector.broadcast %reduce_max3A_719 : i1 to vector<16xi1>
    %reduce_max3A_721 = arith.constant -2147483648 : i32
    %reduce_max3A_722 = vector.broadcast %reduce_max3A_721 : i32 to vector<16xi32>
    %reduce_max3A_723 = arith.xori %select_n3A_718, %reduce_max3A_722 : vector<16xi32>
    %reduce_max3A_724 = tpu.scan <max>, %reduce_max3A_723 masked %reduce_max3A_720 : vector<16xi32>, vector<16xi1> -> vector<16xi32>
    %reduce_max3A_725 = arith.xori %reduce_max3A_724, %reduce_max3A_722 : vector<16xi32>
    %reduce_max3A_726 = vector.extract %reduce_max3A_725[15] : i32 from vector<16xi32>
    %shift_right_arithmetic3A_727 = arith.constant 7 : i32
    %shift_right_arithmetic3A_728 = arith.shrsi %reduce_max3A_726, %shift_right_arithmetic3A_727 : i32
    %shift_left3A_729 = arith.constant 7 : i32
    %shift_left3A_730 = arith.shli %shift_right_arithmetic3A_728, %shift_left3A_729 : i32
    %multiple_of3A_731 = tpu.assume_multiple %shift_left3A_730, 128 : i32
    %dma_start3A_732 = arith.constant 5 : i32
    %dma_start3A_733 = arith.constant 0 : i32
    %dma_start3A_734 = arith.constant 0 : i32
    %dma_start3A_735 = arith.constant 0 : i32
    %dma_start3A_736 = tpu.memref_slice %arg10[%dma_start3A_732, %dma_start3A_733, %dma_start3A_734, %dma_start3A_735] : memref<7x2x32x128xf32, #tpu.memory_space<vmem>> -> memref<1x1x32x128xf32, #tpu.memory_space<vmem>>
    %dma_start3A_737 = tpu.memref_squeeze %dma_start3A_736 : memref<1x1x32x128xf32, #tpu.memory_space<vmem>> -> memref<32x128xf32, #tpu.memory_space<vmem>>
    %dma_start3A_738 = arith.constant 0 : i32
    %dma_start3A_739 = tpu.memref_slice %arg5[%dma_start3A_738, %multiple_of3A_731] : memref<32x1000000xf32, #tpu.memory_space<hbm>> -> memref<32x128xf32, #tpu.memory_space<hbm>>
    %dma_start3A_740 = arith.constant 0 : i32
    %dma_start3A_741 = arith.constant 0 : i32
    %dma_start3A_742 = tpu.memref_slice %arg10[%dma_start3A_732, %dma_start3A_733, %dma_start3A_740, %dma_start3A_741] : memref<7x2x32x128xf32, #tpu.memory_space<vmem>> -> memref<1x1x32x128xf32, #tpu.memory_space<vmem>>
    %dma_start3A_743 = tpu.memref_squeeze %dma_start3A_742 : memref<1x1x32x128xf32, #tpu.memory_space<vmem>> -> memref<32x128xf32, #tpu.memory_space<vmem>>
    %dma_start3A_744 = arith.constant 0 : i32
    %dma_start3A_745 = tpu.memref_slice %arg5[%dma_start3A_744, %multiple_of3A_731] : memref<32x1000000xf32, #tpu.memory_space<hbm>> -> memref<32x128xf32, #tpu.memory_space<hbm>>
    tpu.enqueue_dma source(%dma_start3A_745 : memref<32x128xf32, #tpu.memory_space<hbm>>) target(%dma_start3A_743 : memref<32x128xf32, #tpu.memory_space<vmem>>) target_semaphore(%arg13 : memref<!tpu.dma_semaphore, #tpu.memory_space<semaphore_mem>>)
    %eq3A_746 = arith.constant 11 : i32
    %eq3A_747 = vector.broadcast %eq3A_746 : i32 to vector<16xi32>
    %eq3A_748 = arith.cmpi eq, %iota3A, %eq3A_747 : vector<16xi32>
    %jit3A_749 = arith.constant 0 : i32
    %broadcast_in_dim3A_750 = vector.broadcast %jit3A_749 : i32 to vector<16xi32>
    %select_n3A_751 = arith.select %eq3A_748, %get3A_677, %broadcast_in_dim3A_750 : vector<16xi1>, vector<16xi32>
    %reduce_max3A_752 = arith.constant true
    %reduce_max3A_753 = vector.broadcast %reduce_max3A_752 : i1 to vector<16xi1>
    %reduce_max3A_754 = arith.constant -2147483648 : i32
    %reduce_max3A_755 = vector.broadcast %reduce_max3A_754 : i32 to vector<16xi32>
    %reduce_max3A_756 = arith.xori %select_n3A_751, %reduce_max3A_755 : vector<16xi32>
    %reduce_max3A_757 = tpu.scan <max>, %reduce_max3A_756 masked %reduce_max3A_753 : vector<16xi32>, vector<16xi1> -> vector<16xi32>
    %reduce_max3A_758 = arith.xori %reduce_max3A_757, %reduce_max3A_755 : vector<16xi32>
    %reduce_max3A_759 = vector.extract %reduce_max3A_758[15] : i32 from vector<16xi32>
    %shift_right_arithmetic3A_760 = arith.constant 7 : i32
    %shift_right_arithmetic3A_761 = arith.shrsi %reduce_max3A_759, %shift_right_arithmetic3A_760 : i32
    %shift_left3A_762 = arith.constant 7 : i32
    %shift_left3A_763 = arith.shli %shift_right_arithmetic3A_761, %shift_left3A_762 : i32
    %multiple_of3A_764 = tpu.assume_multiple %shift_left3A_763, 128 : i32
    %dma_start3A_765 = arith.constant 5 : i32
    %dma_start3A_766 = arith.constant 1 : i32
    %dma_start3A_767 = arith.constant 0 : i32
    %dma_start3A_768 = arith.constant 0 : i32
    %dma_start3A_769 = tpu.memref_slice %arg9[%dma_start3A_765, %dma_start3A_766, %dma_start3A_767, %dma_start3A_768] : memref<7x2x32x128xf32, #tpu.memory_space<vmem>> -> memref<1x1x32x128xf32, #tpu.memory_space<vmem>>
    %dma_start3A_770 = tpu.memref_squeeze %dma_start3A_769 : memref<1x1x32x128xf32, #tpu.memory_space<vmem>> -> memref<32x128xf32, #tpu.memory_space<vmem>>
    %dma_start3A_771 = arith.constant 0 : i32
    %dma_start3A_772 = tpu.memref_slice %arg4[%dma_start3A_771, %multiple_of3A_764] : memref<32x1000000xf32, #tpu.memory_space<hbm>> -> memref<32x128xf32, #tpu.memory_space<hbm>>
    %dma_start3A_773 = arith.constant 0 : i32
    %dma_start3A_774 = arith.constant 0 : i32
    %dma_start3A_775 = tpu.memref_slice %arg9[%dma_start3A_765, %dma_start3A_766, %dma_start3A_773, %dma_start3A_774] : memref<7x2x32x128xf32, #tpu.memory_space<vmem>> -> memref<1x1x32x128xf32, #tpu.memory_space<vmem>>
    %dma_start3A_776 = tpu.memref_squeeze %dma_start3A_775 : memref<1x1x32x128xf32, #tpu.memory_space<vmem>> -> memref<32x128xf32, #tpu.memory_space<vmem>>
    %dma_start3A_777 = arith.constant 0 : i32
    %dma_start3A_778 = tpu.memref_slice %arg4[%dma_start3A_777, %multiple_of3A_764] : memref<32x1000000xf32, #tpu.memory_space<hbm>> -> memref<32x128xf32, #tpu.memory_space<hbm>>
    tpu.enqueue_dma source(%dma_start3A_778 : memref<32x128xf32, #tpu.memory_space<hbm>>) target(%dma_start3A_776 : memref<32x128xf32, #tpu.memory_space<vmem>>) target_semaphore(%arg12 : memref<!tpu.dma_semaphore, #tpu.memory_space<semaphore_mem>>)
    %eq3A_779 = arith.constant 11 : i32
    %eq3A_780 = vector.broadcast %eq3A_779 : i32 to vector<16xi32>
    %eq3A_781 = arith.cmpi eq, %iota3A, %eq3A_780 : vector<16xi32>
    %jit3A_782 = arith.constant 0 : i32
    %broadcast_in_dim3A_783 = vector.broadcast %jit3A_782 : i32 to vector<16xi32>
    %select_n3A_784 = arith.select %eq3A_781, %get3A_679, %broadcast_in_dim3A_783 : vector<16xi1>, vector<16xi32>
    %reduce_max3A_785 = arith.constant true
    %reduce_max3A_786 = vector.broadcast %reduce_max3A_785 : i1 to vector<16xi1>
    %reduce_max3A_787 = arith.constant -2147483648 : i32
    %reduce_max3A_788 = vector.broadcast %reduce_max3A_787 : i32 to vector<16xi32>
    %reduce_max3A_789 = arith.xori %select_n3A_784, %reduce_max3A_788 : vector<16xi32>
    %reduce_max3A_790 = tpu.scan <max>, %reduce_max3A_789 masked %reduce_max3A_786 : vector<16xi32>, vector<16xi1> -> vector<16xi32>
    %reduce_max3A_791 = arith.xori %reduce_max3A_790, %reduce_max3A_788 : vector<16xi32>
    %reduce_max3A_792 = vector.extract %reduce_max3A_791[15] : i32 from vector<16xi32>
    %shift_right_arithmetic3A_793 = arith.constant 7 : i32
    %shift_right_arithmetic3A_794 = arith.shrsi %reduce_max3A_792, %shift_right_arithmetic3A_793 : i32
    %shift_left3A_795 = arith.constant 7 : i32
    %shift_left3A_796 = arith.shli %shift_right_arithmetic3A_794, %shift_left3A_795 : i32
    %multiple_of3A_797 = tpu.assume_multiple %shift_left3A_796, 128 : i32
    %dma_start3A_798 = arith.constant 5 : i32
    %dma_start3A_799 = arith.constant 1 : i32
    %dma_start3A_800 = arith.constant 0 : i32
    %dma_start3A_801 = arith.constant 0 : i32
    %dma_start3A_802 = tpu.memref_slice %arg10[%dma_start3A_798, %dma_start3A_799, %dma_start3A_800, %dma_start3A_801] : memref<7x2x32x128xf32, #tpu.memory_space<vmem>> -> memref<1x1x32x128xf32, #tpu.memory_space<vmem>>
    %dma_start3A_803 = tpu.memref_squeeze %dma_start3A_802 : memref<1x1x32x128xf32, #tpu.memory_space<vmem>> -> memref<32x128xf32, #tpu.memory_space<vmem>>
    %dma_start3A_804 = arith.constant 0 : i32
    %dma_start3A_805 = tpu.memref_slice %arg5[%dma_start3A_804, %multiple_of3A_797] : memref<32x1000000xf32, #tpu.memory_space<hbm>> -> memref<32x128xf32, #tpu.memory_space<hbm>>
    %dma_start3A_806 = arith.constant 0 : i32
    %dma_start3A_807 = arith.constant 0 : i32
    %dma_start3A_808 = tpu.memref_slice %arg10[%dma_start3A_798, %dma_start3A_799, %dma_start3A_806, %dma_start3A_807] : memref<7x2x32x128xf32, #tpu.memory_space<vmem>> -> memref<1x1x32x128xf32, #tpu.memory_space<vmem>>
    %dma_start3A_809 = tpu.memref_squeeze %dma_start3A_808 : memref<1x1x32x128xf32, #tpu.memory_space<vmem>> -> memref<32x128xf32, #tpu.memory_space<vmem>>
    %dma_start3A_810 = arith.constant 0 : i32
    %dma_start3A_811 = tpu.memref_slice %arg5[%dma_start3A_810, %multiple_of3A_797] : memref<32x1000000xf32, #tpu.memory_space<hbm>> -> memref<32x128xf32, #tpu.memory_space<hbm>>
    tpu.enqueue_dma source(%dma_start3A_811 : memref<32x128xf32, #tpu.memory_space<hbm>>) target(%dma_start3A_809 : memref<32x128xf32, #tpu.memory_space<vmem>>) target_semaphore(%arg13 : memref<!tpu.dma_semaphore, #tpu.memory_space<semaphore_mem>>)
    %scan3A = arith.constant 0 : i32
    %scan3A_812 = arith.constant 0 : i32
    %scan3A_813 = arith.constant 256 : i32
    %scan3A_814 = arith.addi %scan3A_812, %scan3A_813 : i32
    %scan3A_815 = arith.constant 1 : i32
    scf.for %scan3A_817 = %scan3A_812 to %scan3A_814 step %scan3A_815  : i32 {
      %add3A_818 = arith.constant 7 : i32
      %add3A_819 = arith.addi %scan3A_817, %add3A_818 : i32
      %sub3A = arith.constant 1 : i32
      %sub3A_820 = arith.subi %add3A_819, %sub3A : i32
      %lt3A = arith.constant 256 : i32
      %lt3A_821 = arith.cmpi slt, %sub3A_820, %lt3A : i32
      %convert_element_type3A = arith.extui %lt3A_821 : i1 to i32
      %cond3A = arith.constant 0 : i32
      %cond3A_822 = arith.cmpi ne, %convert_element_type3A, %cond3A : i32
      scf.if %cond3A_822 {
        %add3A_1101 = arith.constant 7 : i32
        %add3A_1102 = arith.addi %scan3A_817, %add3A_1101 : i32
        %sub3A_1103 = arith.constant 1 : i32
        %sub3A_1104 = arith.subi %add3A_1102, %sub3A_1103 : i32
        %jit3A_1105 = arith.constant 8 : i32
        %div3A_1106 = arith.divsi %sub3A_1104, %jit3A_1105 : i32
        %sign3A_1107 = arith.constant 0 : i32
        %sign3A_1108 = arith.cmpi sgt, %sub3A_1104, %sign3A_1107 : i32
        %sign3A_1109 = arith.extui %sign3A_1108 : i1 to i32
        %sign3A_1110 = arith.constant 0 : i32
        %sign3A_1111 = arith.cmpi slt, %sub3A_1104, %sign3A_1110 : i32
        %sign3A_1112 = arith.extui %sign3A_1111 : i1 to i32
        %sign3A_1113 = arith.subi %sign3A_1109, %sign3A_1112 : i32
        %sign3A_1114 = arith.constant 0 : i32
        %sign3A_1115 = arith.cmpi sgt, %jit3A_1105, %sign3A_1114 : i32
        %sign3A_1116 = arith.extui %sign3A_1115 : i1 to i32
        %sign3A_1117 = arith.constant 0 : i32
        %sign3A_1118 = arith.cmpi slt, %jit3A_1105, %sign3A_1117 : i32
        %sign3A_1119 = arith.extui %sign3A_1118 : i1 to i32
        %sign3A_1120 = arith.subi %sign3A_1116, %sign3A_1119 : i32
        %ne3A_1121 = arith.cmpi ne, %sign3A_1113, %sign3A_1120 : i32
        %rem3A_1122 = arith.remsi %sub3A_1104, %jit3A_1105 : i32
        %ne3A_1123 = arith.constant 0 : i32
        %ne3A_1124 = arith.cmpi ne, %rem3A_1122, %ne3A_1123 : i32
        %and3A_1125 = arith.andi %ne3A_1121, %ne3A_1124 : i1
        %sub3A_1126 = arith.constant 1 : i32
        %sub3A_1127 = arith.subi %div3A_1106, %sub3A_1126 : i32
        %select_n3A_1128 = arith.select %and3A_1125, %sub3A_1127, %div3A_1106 : i32
        %mul3A_1129 = arith.constant 16 : i32
        %mul3A_1130 = arith.muli %select_n3A_1128, %mul3A_1129 : i32
        %get3A_1131 = arith.index_cast %mul3A_1130 : i32 to index
        %get3A_1132 = tpu.vector_load %arg7[%get3A_1131] {strides = array<i32>} : memref<512xi32, #tpu.memory_space<vmem>>, vector<16xi32>,
        %get3A_1133 = arith.index_cast %mul3A_1130 : i32 to index
        %get3A_1134 = tpu.vector_load %arg8[%get3A_1133] {strides = array<i32>} : memref<512xi32, #tpu.memory_space<vmem>>, vector<16xi32>,
        %jit3A_1135 = arith.constant 7 : i32
        %eq3A_1136 = arith.constant 0 : i32
        %eq3A_1137 = arith.cmpi eq, %jit3A_1135, %eq3A_1136 : i32
        %jit3A_1138 = arith.constant 1 : i32
        %select_n3A_1139 = arith.select %eq3A_1137, %jit3A_1138, %jit3A_1135 : i32
        %rem3A_1140 = arith.remsi %sub3A_1104, %select_n3A_1139 : i32
        %ne3A_1141 = arith.constant 0 : i32
        %ne3A_1142 = arith.cmpi ne, %rem3A_1140, %ne3A_1141 : i32
        %lt3A_1143 = arith.constant 0 : i32
        %lt3A_1144 = arith.cmpi slt, %rem3A_1140, %lt3A_1143 : i32
        %lt3A_1145 = arith.constant 0 : i32
        %lt3A_1146 = arith.cmpi slt, %select_n3A_1139, %lt3A_1145 : i32
        %ne3A_1147 = arith.xori %lt3A_1144, %lt3A_1146 : i1
        %and3A_1148 = arith.andi %ne3A_1147, %ne3A_1142 : i1
        %add3A_1149 = arith.addi %rem3A_1140, %select_n3A_1139 : i32
        %select_n3A_1150 = arith.select %and3A_1148, %add3A_1149, %rem3A_1140 : i32
        %jit3A_1151 = arith.constant 8 : i32
        %eq3A_1152 = arith.constant 0 : i32
        %eq3A_1153 = arith.cmpi eq, %jit3A_1151, %eq3A_1152 : i32
        %jit3A_1154 = arith.constant 1 : i32
        %select_n3A_1155 = arith.select %eq3A_1153, %jit3A_1154, %jit3A_1151 : i32
        %rem3A_1156 = arith.remsi %sub3A_1104, %select_n3A_1155 : i32
        %ne3A_1157 = arith.constant 0 : i32
        %ne3A_1158 = arith.cmpi ne, %rem3A_1156, %ne3A_1157 : i32
        %lt3A_1159 = arith.constant 0 : i32
        %lt3A_1160 = arith.cmpi slt, %rem3A_1156, %lt3A_1159 : i32
        %lt3A_1161 = arith.constant 0 : i32
        %lt3A_1162 = arith.cmpi slt, %select_n3A_1155, %lt3A_1161 : i32
        %ne3A_1163 = arith.xori %lt3A_1160, %lt3A_1162 : i1
        %and3A_1164 = arith.andi %ne3A_1163, %ne3A_1158 : i1
        %add3A_1165 = arith.addi %rem3A_1156, %select_n3A_1155 : i32
        %select_n3A_1166 = arith.select %and3A_1164, %add3A_1165, %rem3A_1156 : i32
        %mul3A_1167 = arith.constant 2 : i32
        %mul3A_1168 = arith.muli %select_n3A_1166, %mul3A_1167 : i32
        %add3A_1169 = arith.constant 0 : i32
        %add3A_1170 = arith.addi %mul3A_1168, %add3A_1169 : i32
        %eq3A_1171 = vector.broadcast %add3A_1170 : i32 to vector<16xi32>
        %eq3A_1172 = arith.cmpi eq, %iota3A, %eq3A_1171 : vector<16xi32>
        %jit3A_1173 = arith.constant 0 : i32
        %broadcast_in_dim3A_1174 = vector.broadcast %jit3A_1173 : i32 to vector<16xi32>
        %select_n3A_1175 = arith.select %eq3A_1172, %get3A_1132, %broadcast_in_dim3A_1174 : vector<16xi1>, vector<16xi32>
        %reduce_max3A_1176 = arith.constant true
        %reduce_max3A_1177 = vector.broadcast %reduce_max3A_1176 : i1 to vector<16xi1>
        %reduce_max3A_1178 = arith.constant -2147483648 : i32
        %reduce_max3A_1179 = vector.broadcast %reduce_max3A_1178 : i32 to vector<16xi32>
        %reduce_max3A_1180 = arith.xori %select_n3A_1175, %reduce_max3A_1179 : vector<16xi32>
        %reduce_max3A_1181 = tpu.scan <max>, %reduce_max3A_1180 masked %reduce_max3A_1177 : vector<16xi32>, vector<16xi1> -> vector<16xi32>
        %reduce_max3A_1182 = arith.xori %reduce_max3A_1181, %reduce_max3A_1179 : vector<16xi32>
        %reduce_max3A_1183 = vector.extract %reduce_max3A_1182[15] : i32 from vector<16xi32>
        %shift_right_arithmetic3A_1184 = arith.constant 7 : i32
        %shift_right_arithmetic3A_1185 = arith.shrsi %reduce_max3A_1183, %shift_right_arithmetic3A_1184 : i32
        %shift_left3A_1186 = arith.constant 7 : i32
        %shift_left3A_1187 = arith.shli %shift_right_arithmetic3A_1185, %shift_left3A_1186 : i32
        %multiple_of3A_1188 = tpu.assume_multiple %shift_left3A_1187, 128 : i32
        %dma_start3A_1189 = arith.constant 0 : i32
        %dma_start3A_1190 = arith.constant 0 : i32
        %dma_start3A_1191 = arith.constant 0 : i32
        %dma_start3A_1192 = tpu.memref_slice %arg9[%select_n3A_1150, %dma_start3A_1189, %dma_start3A_1190, %dma_start3A_1191] : memref<7x2x32x128xf32, #tpu.memory_space<vmem>> -> memref<1x1x32x128xf32, #tpu.memory_space<vmem>>
        %dma_start3A_1193 = tpu.memref_squeeze %dma_start3A_1192 : memref<1x1x32x128xf32, #tpu.memory_space<vmem>> -> memref<32x128xf32, #tpu.memory_space<vmem>>
        %dma_start3A_1194 = arith.constant 0 : i32
        %dma_start3A_1195 = tpu.memref_slice %arg4[%dma_start3A_1194, %multiple_of3A_1188] : memref<32x1000000xf32, #tpu.memory_space<hbm>> -> memref<32x128xf32, #tpu.memory_space<hbm>>
        %dma_start3A_1196 = arith.constant 0 : i32
        %dma_start3A_1197 = arith.constant 0 : i32
        %dma_start3A_1198 = tpu.memref_slice %arg9[%select_n3A_1150, %dma_start3A_1189, %dma_start3A_1196, %dma_start3A_1197] : memref<7x2x32x128xf32, #tpu.memory_space<vmem>> -> memref<1x1x32x128xf32, #tpu.memory_space<vmem>>
        %dma_start3A_1199 = tpu.memref_squeeze %dma_start3A_1198 : memref<1x1x32x128xf32, #tpu.memory_space<vmem>> -> memref<32x128xf32, #tpu.memory_space<vmem>>
        %dma_start3A_1200 = arith.constant 0 : i32
        %dma_start3A_1201 = tpu.memref_slice %arg4[%dma_start3A_1200, %multiple_of3A_1188] : memref<32x1000000xf32, #tpu.memory_space<hbm>> -> memref<32x128xf32, #tpu.memory_space<hbm>>
        tpu.enqueue_dma source(%dma_start3A_1201 : memref<32x128xf32, #tpu.memory_space<hbm>>) target(%dma_start3A_1199 : memref<32x128xf32, #tpu.memory_space<vmem>>) target_semaphore(%arg12 : memref<!tpu.dma_semaphore, #tpu.memory_space<semaphore_mem>>)
        %eq3A_1202 = vector.broadcast %add3A_1170 : i32 to vector<16xi32>
        %eq3A_1203 = arith.cmpi eq, %iota3A, %eq3A_1202 : vector<16xi32>
        %jit3A_1204 = arith.constant 0 : i32
        %broadcast_in_dim3A_1205 = vector.broadcast %jit3A_1204 : i32 to vector<16xi32>
        %select_n3A_1206 = arith.select %eq3A_1203, %get3A_1134, %broadcast_in_dim3A_1205 : vector<16xi1>, vector<16xi32>
        %reduce_max3A_1207 = arith.constant true
        %reduce_max3A_1208 = vector.broadcast %reduce_max3A_1207 : i1 to vector<16xi1>
        %reduce_max3A_1209 = arith.constant -2147483648 : i32
        %reduce_max3A_1210 = vector.broadcast %reduce_max3A_1209 : i32 to vector<16xi32>
        %reduce_max3A_1211 = arith.xori %select_n3A_1206, %reduce_max3A_1210 : vector<16xi32>
        %reduce_max3A_1212 = tpu.scan <max>, %reduce_max3A_1211 masked %reduce_max3A_1208 : vector<16xi32>, vector<16xi1> -> vector<16xi32>
        %reduce_max3A_1213 = arith.xori %reduce_max3A_1212, %reduce_max3A_1210 : vector<16xi32>
        %reduce_max3A_1214 = vector.extract %reduce_max3A_1213[15] : i32 from vector<16xi32>
        %shift_right_arithmetic3A_1215 = arith.constant 7 : i32
        %shift_right_arithmetic3A_1216 = arith.shrsi %reduce_max3A_1214, %shift_right_arithmetic3A_1215 : i32
        %shift_left3A_1217 = arith.constant 7 : i32
        %shift_left3A_1218 = arith.shli %shift_right_arithmetic3A_1216, %shift_left3A_1217 : i32
        %multiple_of3A_1219 = tpu.assume_multiple %shift_left3A_1218, 128 : i32
        %dma_start3A_1220 = arith.constant 0 : i32
        %dma_start3A_1221 = arith.constant 0 : i32
        %dma_start3A_1222 = arith.constant 0 : i32
        %dma_start3A_1223 = tpu.memref_slice %arg10[%select_n3A_1150, %dma_start3A_1220, %dma_start3A_1221, %dma_start3A_1222] : memref<7x2x32x128xf32, #tpu.memory_space<vmem>> -> memref<1x1x32x128xf32, #tpu.memory_space<vmem>>
        %dma_start3A_1224 = tpu.memref_squeeze %dma_start3A_1223 : memref<1x1x32x128xf32, #tpu.memory_space<vmem>> -> memref<32x128xf32, #tpu.memory_space<vmem>>
        %dma_start3A_1225 = arith.constant 0 : i32
        %dma_start3A_1226 = tpu.memref_slice %arg5[%dma_start3A_1225, %multiple_of3A_1219] : memref<32x1000000xf32, #tpu.memory_space<hbm>> -> memref<32x128xf32, #tpu.memory_space<hbm>>
        %dma_start3A_1227 = arith.constant 0 : i32
        %dma_start3A_1228 = arith.constant 0 : i32
        %dma_start3A_1229 = tpu.memref_slice %arg10[%select_n3A_1150, %dma_start3A_1220, %dma_start3A_1227, %dma_start3A_1228] : memref<7x2x32x128xf32, #tpu.memory_space<vmem>> -> memref<1x1x32x128xf32, #tpu.memory_space<vmem>>
        %dma_start3A_1230 = tpu.memref_squeeze %dma_start3A_1229 : memref<1x1x32x128xf32, #tpu.memory_space<vmem>> -> memref<32x128xf32, #tpu.memory_space<vmem>>
        %dma_start3A_1231 = arith.constant 0 : i32
        %dma_start3A_1232 = tpu.memref_slice %arg5[%dma_start3A_1231, %multiple_of3A_1219] : memref<32x1000000xf32, #tpu.memory_space<hbm>> -> memref<32x128xf32, #tpu.memory_space<hbm>>
        tpu.enqueue_dma source(%dma_start3A_1232 : memref<32x128xf32, #tpu.memory_space<hbm>>) target(%dma_start3A_1230 : memref<32x128xf32, #tpu.memory_space<vmem>>) target_semaphore(%arg13 : memref<!tpu.dma_semaphore, #tpu.memory_space<semaphore_mem>>)
        %jit3A_1233 = arith.constant 8 : i32
        %eq3A_1234 = arith.constant 0 : i32
        %eq3A_1235 = arith.cmpi eq, %jit3A_1233, %eq3A_1234 : i32
        %jit3A_1236 = arith.constant 1 : i32
        %select_n3A_1237 = arith.select %eq3A_1235, %jit3A_1236, %jit3A_1233 : i32
        %rem3A_1238 = arith.remsi %sub3A_1104, %select_n3A_1237 : i32
        %ne3A_1239 = arith.constant 0 : i32
        %ne3A_1240 = arith.cmpi ne, %rem3A_1238, %ne3A_1239 : i32
        %lt3A_1241 = arith.constant 0 : i32
        %lt3A_1242 = arith.cmpi slt, %rem3A_1238, %lt3A_1241 : i32
        %lt3A_1243 = arith.constant 0 : i32
        %lt3A_1244 = arith.cmpi slt, %select_n3A_1237, %lt3A_1243 : i32
        %ne3A_1245 = arith.xori %lt3A_1242, %lt3A_1244 : i1
        %and3A_1246 = arith.andi %ne3A_1245, %ne3A_1240 : i1
        %add3A_1247 = arith.addi %rem3A_1238, %select_n3A_1237 : i32
        %select_n3A_1248 = arith.select %and3A_1246, %add3A_1247, %rem3A_1238 : i32
        %mul3A_1249 = arith.constant 2 : i32
        %mul3A_1250 = arith.muli %select_n3A_1248, %mul3A_1249 : i32
        %add3A_1251 = arith.constant 1 : i32
        %add3A_1252 = arith.addi %mul3A_1250, %add3A_1251 : i32
        %eq3A_1253 = vector.broadcast %add3A_1252 : i32 to vector<16xi32>
        %eq3A_1254 = arith.cmpi eq, %iota3A, %eq3A_1253 : vector<16xi32>
        %jit3A_1255 = arith.constant 0 : i32
        %broadcast_in_dim3A_1256 = vector.broadcast %jit3A_1255 : i32 to vector<16xi32>
        %select_n3A_1257 = arith.select %eq3A_1254, %get3A_1132, %broadcast_in_dim3A_1256 : vector<16xi1>, vector<16xi32>
        %reduce_max3A_1258 = arith.constant true
        %reduce_max3A_1259 = vector.broadcast %reduce_max3A_1258 : i1 to vector<16xi1>
        %reduce_max3A_1260 = arith.constant -2147483648 : i32
        %reduce_max3A_1261 = vector.broadcast %reduce_max3A_1260 : i32 to vector<16xi32>
        %reduce_max3A_1262 = arith.xori %select_n3A_1257, %reduce_max3A_1261 : vector<16xi32>
        %reduce_max3A_1263 = tpu.scan <max>, %reduce_max3A_1262 masked %reduce_max3A_1259 : vector<16xi32>, vector<16xi1> -> vector<16xi32>
        %reduce_max3A_1264 = arith.xori %reduce_max3A_1263, %reduce_max3A_1261 : vector<16xi32>
        %reduce_max3A_1265 = vector.extract %reduce_max3A_1264[15] : i32 from vector<16xi32>
        %shift_right_arithmetic3A_1266 = arith.constant 7 : i32
        %shift_right_arithmetic3A_1267 = arith.shrsi %reduce_max3A_1265, %shift_right_arithmetic3A_1266 : i32
        %shift_left3A_1268 = arith.constant 7 : i32
        %shift_left3A_1269 = arith.shli %shift_right_arithmetic3A_1267, %shift_left3A_1268 : i32
        %multiple_of3A_1270 = tpu.assume_multiple %shift_left3A_1269, 128 : i32
        %dma_start3A_1271 = arith.constant 1 : i32
        %dma_start3A_1272 = arith.constant 0 : i32
        %dma_start3A_1273 = arith.constant 0 : i32
        %dma_start3A_1274 = tpu.memref_slice %arg9[%select_n3A_1150, %dma_start3A_1271, %dma_start3A_1272, %dma_start3A_1273] : memref<7x2x32x128xf32, #tpu.memory_space<vmem>> -> memref<1x1x32x128xf32, #tpu.memory_space<vmem>>
        %dma_start3A_1275 = tpu.memref_squeeze %dma_start3A_1274 : memref<1x1x32x128xf32, #tpu.memory_space<vmem>> -> memref<32x128xf32, #tpu.memory_space<vmem>>
        %dma_start3A_1276 = arith.constant 0 : i32
        %dma_start3A_1277 = tpu.memref_slice %arg4[%dma_start3A_1276, %multiple_of3A_1270] : memref<32x1000000xf32, #tpu.memory_space<hbm>> -> memref<32x128xf32, #tpu.memory_space<hbm>>
        %dma_start3A_1278 = arith.constant 0 : i32
        %dma_start3A_1279 = arith.constant 0 : i32
        %dma_start3A_1280 = tpu.memref_slice %arg9[%select_n3A_1150, %dma_start3A_1271, %dma_start3A_1278, %dma_start3A_1279] : memref<7x2x32x128xf32, #tpu.memory_space<vmem>> -> memref<1x1x32x128xf32, #tpu.memory_space<vmem>>
        %dma_start3A_1281 = tpu.memref_squeeze %dma_start3A_1280 : memref<1x1x32x128xf32, #tpu.memory_space<vmem>> -> memref<32x128xf32, #tpu.memory_space<vmem>>
        %dma_start3A_1282 = arith.constant 0 : i32
        %dma_start3A_1283 = tpu.memref_slice %arg4[%dma_start3A_1282, %multiple_of3A_1270] : memref<32x1000000xf32, #tpu.memory_space<hbm>> -> memref<32x128xf32, #tpu.memory_space<hbm>>
        tpu.enqueue_dma source(%dma_start3A_1283 : memref<32x128xf32, #tpu.memory_space<hbm>>) target(%dma_start3A_1281 : memref<32x128xf32, #tpu.memory_space<vmem>>) target_semaphore(%arg12 : memref<!tpu.dma_semaphore, #tpu.memory_space<semaphore_mem>>)
        %eq3A_1284 = vector.broadcast %add3A_1252 : i32 to vector<16xi32>
        %eq3A_1285 = arith.cmpi eq, %iota3A, %eq3A_1284 : vector<16xi32>
        %jit3A_1286 = arith.constant 0 : i32
        %broadcast_in_dim3A_1287 = vector.broadcast %jit3A_1286 : i32 to vector<16xi32>
        %select_n3A_1288 = arith.select %eq3A_1285, %get3A_1134, %broadcast_in_dim3A_1287 : vector<16xi1>, vector<16xi32>
        %reduce_max3A_1289 = arith.constant true
        %reduce_max3A_1290 = vector.broadcast %reduce_max3A_1289 : i1 to vector<16xi1>
        %reduce_max3A_1291 = arith.constant -2147483648 : i32
        %reduce_max3A_1292 = vector.broadcast %reduce_max3A_1291 : i32 to vector<16xi32>
        %reduce_max3A_1293 = arith.xori %select_n3A_1288, %reduce_max3A_1292 : vector<16xi32>
        %reduce_max3A_1294 = tpu.scan <max>, %reduce_max3A_1293 masked %reduce_max3A_1290 : vector<16xi32>, vector<16xi1> -> vector<16xi32>
        %reduce_max3A_1295 = arith.xori %reduce_max3A_1294, %reduce_max3A_1292 : vector<16xi32>
        %reduce_max3A_1296 = vector.extract %reduce_max3A_1295[15] : i32 from vector<16xi32>
        %shift_right_arithmetic3A_1297 = arith.constant 7 : i32
        %shift_right_arithmetic3A_1298 = arith.shrsi %reduce_max3A_1296, %shift_right_arithmetic3A_1297 : i32
        %shift_left3A_1299 = arith.constant 7 : i32
        %shift_left3A_1300 = arith.shli %shift_right_arithmetic3A_1298, %shift_left3A_1299 : i32
        %multiple_of3A_1301 = tpu.assume_multiple %shift_left3A_1300, 128 : i32
        %dma_start3A_1302 = arith.constant 1 : i32
        %dma_start3A_1303 = arith.constant 0 : i32
        %dma_start3A_1304 = arith.constant 0 : i32
        %dma_start3A_1305 = tpu.memref_slice %arg10[%select_n3A_1150, %dma_start3A_1302, %dma_start3A_1303, %dma_start3A_1304] : memref<7x2x32x128xf32, #tpu.memory_space<vmem>> -> memref<1x1x32x128xf32, #tpu.memory_space<vmem>>
        %dma_start3A_1306 = tpu.memref_squeeze %dma_start3A_1305 : memref<1x1x32x128xf32, #tpu.memory_space<vmem>> -> memref<32x128xf32, #tpu.memory_space<vmem>>
        %dma_start3A_1307 = arith.constant 0 : i32
        %dma_start3A_1308 = tpu.memref_slice %arg5[%dma_start3A_1307, %multiple_of3A_1301] : memref<32x1000000xf32, #tpu.memory_space<hbm>> -> memref<32x128xf32, #tpu.memory_space<hbm>>
        %dma_start3A_1309 = arith.constant 0 : i32
        %dma_start3A_1310 = arith.constant 0 : i32
        %dma_start3A_1311 = tpu.memref_slice %arg10[%select_n3A_1150, %dma_start3A_1302, %dma_start3A_1309, %dma_start3A_1310] : memref<7x2x32x128xf32, #tpu.memory_space<vmem>> -> memref<1x1x32x128xf32, #tpu.memory_space<vmem>>
        %dma_start3A_1312 = tpu.memref_squeeze %dma_start3A_1311 : memref<1x1x32x128xf32, #tpu.memory_space<vmem>> -> memref<32x128xf32, #tpu.memory_space<vmem>>
        %dma_start3A_1313 = arith.constant 0 : i32
        %dma_start3A_1314 = tpu.memref_slice %arg5[%dma_start3A_1313, %multiple_of3A_1301] : memref<32x1000000xf32, #tpu.memory_space<hbm>> -> memref<32x128xf32, #tpu.memory_space<hbm>>
        tpu.enqueue_dma source(%dma_start3A_1314 : memref<32x128xf32, #tpu.memory_space<hbm>>) target(%dma_start3A_1312 : memref<32x128xf32, #tpu.memory_space<vmem>>) target_semaphore(%arg13 : memref<!tpu.dma_semaphore, #tpu.memory_space<semaphore_mem>>)
      } else {
      }
      %dma_wait3A = arith.constant 0 : i32
      %dma_wait3A_823 = arith.constant 0 : i32
      %dma_wait3A_824 = arith.constant 0 : i32
      %dma_wait3A_825 = arith.constant 0 : i32
      %dma_wait3A_826 = tpu.memref_slice %arg9[%dma_wait3A, %dma_wait3A_823, %dma_wait3A_824, %dma_wait3A_825] : memref<7x2x32x128xf32, #tpu.memory_space<vmem>> -> memref<1x1x32x128xf32, #tpu.memory_space<vmem>>
      %dma_wait3A_827 = tpu.memref_squeeze %dma_wait3A_826 : memref<1x1x32x128xf32, #tpu.memory_space<vmem>> -> memref<32x128xf32, #tpu.memory_space<vmem>>
      %dma_wait3A_828 = arith.constant 0 : i32
      %dma_wait3A_829 = arith.constant 0 : i32
      %dma_wait3A_830 = tpu.memref_slice %arg4[%dma_wait3A_828, %dma_wait3A_829] : memref<32x1000000xf32, #tpu.memory_space<hbm>> -> memref<32x128xf32, #tpu.memory_space<hbm>>
      %dma_wait3A_831 = arith.constant 0 : i32
      %dma_wait3A_832 = arith.constant 0 : i32
      %dma_wait3A_833 = tpu.memref_slice %arg9[%dma_wait3A, %dma_wait3A_823, %dma_wait3A_831, %dma_wait3A_832] : memref<7x2x32x128xf32, #tpu.memory_space<vmem>> -> memref<1x1x32x128xf32, #tpu.memory_space<vmem>>
      %dma_wait3A_834 = tpu.memref_squeeze %dma_wait3A_833 : memref<1x1x32x128xf32, #tpu.memory_space<vmem>> -> memref<32x128xf32, #tpu.memory_space<vmem>>
      %dma_wait3A_835 = arith.constant 0 : i32
      %dma_wait3A_836 = arith.constant 0 : i32
      %dma_wait3A_837 = tpu.memref_slice %arg4[%dma_wait3A_835, %dma_wait3A_836] : memref<32x1000000xf32, #tpu.memory_space<hbm>> -> memref<32x128xf32, #tpu.memory_space<hbm>>
      tpu.wait_dma2 semaphore(%arg12 : memref<!tpu.dma_semaphore, #tpu.memory_space<semaphore_mem>>) src(%dma_wait3A_837 : memref<32x128xf32, #tpu.memory_space<hbm>>) dst(%dma_wait3A_834 : memref<32x128xf32, #tpu.memory_space<vmem>>)
      %dma_wait3A_838 = arith.constant 0 : i32
      %dma_wait3A_839 = arith.constant 0 : i32
      %dma_wait3A_840 = arith.constant 0 : i32
      %dma_wait3A_841 = arith.constant 0 : i32
      %dma_wait3A_842 = tpu.memref_slice %arg10[%dma_wait3A_838, %dma_wait3A_839, %dma_wait3A_840, %dma_wait3A_841] : memref<7x2x32x128xf32, #tpu.memory_space<vmem>> -> memref<1x1x32x128xf32, #tpu.memory_space<vmem>>
      %dma_wait3A_843 = tpu.memref_squeeze %dma_wait3A_842 : memref<1x1x32x128xf32, #tpu.memory_space<vmem>> -> memref<32x128xf32, #tpu.memory_space<vmem>>
      %dma_wait3A_844 = arith.constant 0 : i32
      %dma_wait3A_845 = arith.constant 0 : i32
      %dma_wait3A_846 = tpu.memref_slice %arg5[%dma_wait3A_844, %dma_wait3A_845] : memref<32x1000000xf32, #tpu.memory_space<hbm>> -> memref<32x128xf32, #tpu.memory_space<hbm>>
      %dma_wait3A_847 = arith.constant 0 : i32
      %dma_wait3A_848 = arith.constant 0 : i32
      %dma_wait3A_849 = tpu.memref_slice %arg10[%dma_wait3A_838, %dma_wait3A_839, %dma_wait3A_847, %dma_wait3A_848] : memref<7x2x32x128xf32, #tpu.memory_space<vmem>> -> memref<1x1x32x128xf32, #tpu.memory_space<vmem>>
      %dma_wait3A_850 = tpu.memref_squeeze %dma_wait3A_849 : memref<1x1x32x128xf32, #tpu.memory_space<vmem>> -> memref<32x128xf32, #tpu.memory_space<vmem>>
      %dma_wait3A_851 = arith.constant 0 : i32
      %dma_wait3A_852 = arith.constant 0 : i32
      %dma_wait3A_853 = tpu.memref_slice %arg5[%dma_wait3A_851, %dma_wait3A_852] : memref<32x1000000xf32, #tpu.memory_space<hbm>> -> memref<32x128xf32, #tpu.memory_space<hbm>>
      tpu.wait_dma2 semaphore(%arg13 : memref<!tpu.dma_semaphore, #tpu.memory_space<semaphore_mem>>) src(%dma_wait3A_853 : memref<32x128xf32, #tpu.memory_space<hbm>>) dst(%dma_wait3A_850 : memref<32x128xf32, #tpu.memory_space<vmem>>)
      %dma_wait3A_854 = arith.constant 0 : i32
      %dma_wait3A_855 = arith.constant 1 : i32
      %dma_wait3A_856 = arith.constant 0 : i32
      %dma_wait3A_857 = arith.constant 0 : i32
      %dma_wait3A_858 = tpu.memref_slice %arg9[%dma_wait3A_854, %dma_wait3A_855, %dma_wait3A_856, %dma_wait3A_857] : memref<7x2x32x128xf32, #tpu.memory_space<vmem>> -> memref<1x1x32x128xf32, #tpu.memory_space<vmem>>
      %dma_wait3A_859 = tpu.memref_squeeze %dma_wait3A_858 : memref<1x1x32x128xf32, #tpu.memory_space<vmem>> -> memref<32x128xf32, #tpu.memory_space<vmem>>
      %dma_wait3A_860 = arith.constant 0 : i32
      %dma_wait3A_861 = arith.constant 0 : i32
      %dma_wait3A_862 = tpu.memref_slice %arg4[%dma_wait3A_860, %dma_wait3A_861] : memref<32x1000000xf32, #tpu.memory_space<hbm>> -> memref<32x128xf32, #tpu.memory_space<hbm>>
      %dma_wait3A_863 = arith.constant 0 : i32
      %dma_wait3A_864 = arith.constant 0 : i32
      %dma_wait3A_865 = tpu.memref_slice %arg9[%dma_wait3A_854, %dma_wait3A_855, %dma_wait3A_863, %dma_wait3A_864] : memref<7x2x32x128xf32, #tpu.memory_space<vmem>> -> memref<1x1x32x128xf32, #tpu.memory_space<vmem>>
      %dma_wait3A_866 = tpu.memref_squeeze %dma_wait3A_865 : memref<1x1x32x128xf32, #tpu.memory_space<vmem>> -> memref<32x128xf32, #tpu.memory_space<vmem>>
      %dma_wait3A_867 = arith.constant 0 : i32
      %dma_wait3A_868 = arith.constant 0 : i32
      %dma_wait3A_869 = tpu.memref_slice %arg4[%dma_wait3A_867, %dma_wait3A_868] : memref<32x1000000xf32, #tpu.memory_space<hbm>> -> memref<32x128xf32, #tpu.memory_space<hbm>>
      tpu.wait_dma2 semaphore(%arg12 : memref<!tpu.dma_semaphore, #tpu.memory_space<semaphore_mem>>) src(%dma_wait3A_869 : memref<32x128xf32, #tpu.memory_space<hbm>>) dst(%dma_wait3A_866 : memref<32x128xf32, #tpu.memory_space<vmem>>)
      %dma_wait3A_870 = arith.constant 0 : i32
      %dma_wait3A_871 = arith.constant 1 : i32
      %dma_wait3A_872 = arith.constant 0 : i32
      %dma_wait3A_873 = arith.constant 0 : i32
      %dma_wait3A_874 = tpu.memref_slice %arg10[%dma_wait3A_870, %dma_wait3A_871, %dma_wait3A_872, %dma_wait3A_873] : memref<7x2x32x128xf32, #tpu.memory_space<vmem>> -> memref<1x1x32x128xf32, #tpu.memory_space<vmem>>
      %dma_wait3A_875 = tpu.memref_squeeze %dma_wait3A_874 : memref<1x1x32x128xf32, #tpu.memory_space<vmem>> -> memref<32x128xf32, #tpu.memory_space<vmem>>
      %dma_wait3A_876 = arith.constant 0 : i32
      %dma_wait3A_877 = arith.constant 0 : i32
      %dma_wait3A_878 = tpu.memref_slice %arg5[%dma_wait3A_876, %dma_wait3A_877] : memref<32x1000000xf32, #tpu.memory_space<hbm>> -> memref<32x128xf32, #tpu.memory_space<hbm>>
      %dma_wait3A_879 = arith.constant 0 : i32
      %dma_wait3A_880 = arith.constant 0 : i32
      %dma_wait3A_881 = tpu.memref_slice %arg10[%dma_wait3A_870, %dma_wait3A_871, %dma_wait3A_879, %dma_wait3A_880] : memref<7x2x32x128xf32, #tpu.memory_space<vmem>> -> memref<1x1x32x128xf32, #tpu.memory_space<vmem>>
      %dma_wait3A_882 = tpu.memref_squeeze %dma_wait3A_881 : memref<1x1x32x128xf32, #tpu.memory_space<vmem>> -> memref<32x128xf32, #tpu.memory_space<vmem>>
      %dma_wait3A_883 = arith.constant 0 : i32
      %dma_wait3A_884 = arith.constant 0 : i32
      %dma_wait3A_885 = tpu.memref_slice %arg5[%dma_wait3A_883, %dma_wait3A_884] : memref<32x1000000xf32, #tpu.memory_space<hbm>> -> memref<32x128xf32, #tpu.memory_space<hbm>>
      tpu.wait_dma2 semaphore(%arg13 : memref<!tpu.dma_semaphore, #tpu.memory_space<semaphore_mem>>) src(%dma_wait3A_885 : memref<32x128xf32, #tpu.memory_space<hbm>>) dst(%dma_wait3A_882 : memref<32x128xf32, #tpu.memory_space<vmem>>)
      %jit3A_886 = arith.constant 8 : i32
      %div3A = arith.divsi %scan3A_817, %jit3A_886 : i32
      %sign3A = arith.constant 0 : i32
      %sign3A_887 = arith.cmpi sgt, %scan3A_817, %sign3A : i32
      %sign3A_888 = arith.extui %sign3A_887 : i1 to i32
      %sign3A_889 = arith.constant 0 : i32
      %sign3A_890 = arith.cmpi slt, %scan3A_817, %sign3A_889 : i32
      %sign3A_891 = arith.extui %sign3A_890 : i1 to i32
      %sign3A_892 = arith.subi %sign3A_888, %sign3A_891 : i32
      %sign3A_893 = arith.constant 0 : i32
      %sign3A_894 = arith.cmpi sgt, %jit3A_886, %sign3A_893 : i32
      %sign3A_895 = arith.extui %sign3A_894 : i1 to i32
      %sign3A_896 = arith.constant 0 : i32
      %sign3A_897 = arith.cmpi slt, %jit3A_886, %sign3A_896 : i32
      %sign3A_898 = arith.extui %sign3A_897 : i1 to i32
      %sign3A_899 = arith.subi %sign3A_895, %sign3A_898 : i32
      %ne3A = arith.cmpi ne, %sign3A_892, %sign3A_899 : i32
      %rem3A = arith.remsi %scan3A_817, %jit3A_886 : i32
      %ne3A_900 = arith.constant 0 : i32
      %ne3A_901 = arith.cmpi ne, %rem3A, %ne3A_900 : i32
      %and3A = arith.andi %ne3A, %ne3A_901 : i1
      %sub3A_902 = arith.constant 1 : i32
      %sub3A_903 = arith.subi %div3A, %sub3A_902 : i32
      %select_n3A_904 = arith.select %and3A, %sub3A_903, %div3A : i32
      %mul3A_905 = arith.constant 16 : i32
      %mul3A_906 = arith.muli %select_n3A_904, %mul3A_905 : i32
      %get3A_907 = arith.index_cast %mul3A_906 : i32 to index
      %get3A_908 = tpu.vector_load %arg7[%get3A_907] {strides = array<i32>} : memref<512xi32, #tpu.memory_space<vmem>>, vector<16xi32>,
      %get3A_909 = arith.index_cast %mul3A_906 : i32 to index
      %get3A_910 = tpu.vector_load %arg8[%get3A_909] {strides = array<i32>} : memref<512xi32, #tpu.memory_space<vmem>>, vector<16xi32>,
      %jit3A_911 = arith.constant 7 : i32
      %eq3A_912 = arith.constant 0 : i32
      %eq3A_913 = arith.cmpi eq, %jit3A_911, %eq3A_912 : i32
      %jit3A_914 = arith.constant 1 : i32
      %select_n3A_915 = arith.select %eq3A_913, %jit3A_914, %jit3A_911 : i32
      %rem3A_916 = arith.remsi %scan3A_817, %select_n3A_915 : i32
      %ne3A_917 = arith.constant 0 : i32
      %ne3A_918 = arith.cmpi ne, %rem3A_916, %ne3A_917 : i32
      %lt3A_919 = arith.constant 0 : i32
      %lt3A_920 = arith.cmpi slt, %rem3A_916, %lt3A_919 : i32
      %lt3A_921 = arith.constant 0 : i32
      %lt3A_922 = arith.cmpi slt, %select_n3A_915, %lt3A_921 : i32
      %ne3A_923 = arith.xori %lt3A_920, %lt3A_922 : i1
      %and3A_924 = arith.andi %ne3A_923, %ne3A_918 : i1
      %add3A_925 = arith.addi %rem3A_916, %select_n3A_915 : i32
      %select_n3A_926 = arith.select %and3A_924, %add3A_925, %rem3A_916 : i32
      %broadcast_in_dim3A_927 = arith.constant 0 : i32
      %broadcast_in_dim3A_928 = vector.broadcast %broadcast_in_dim3A_927 : i32 to vector<16xi32>
      %add3A_929 = vector.broadcast %select_n3A_926 : i32 to vector<16xi32>
      %add3A_930 = arith.addi %broadcast_in_dim3A_928, %add3A_929 : vector<16xi32>
      %jit3A_931 = arith.constant 8 : i32
      %eq3A_932 = arith.constant 0 : i32
      %eq3A_933 = arith.cmpi eq, %jit3A_931, %eq3A_932 : i32
      %jit3A_934 = arith.constant 1 : i32
      %select_n3A_935 = arith.select %eq3A_933, %jit3A_934, %jit3A_931 : i32
      %rem3A_936 = arith.remsi %scan3A_817, %select_n3A_935 : i32
      %ne3A_937 = arith.constant 0 : i32
      %ne3A_938 = arith.cmpi ne, %rem3A_936, %ne3A_937 : i32
      %lt3A_939 = arith.constant 0 : i32
      %lt3A_940 = arith.cmpi slt, %rem3A_936, %lt3A_939 : i32
      %lt3A_941 = arith.constant 0 : i32
      %lt3A_942 = arith.cmpi slt, %select_n3A_935, %lt3A_941 : i32
      %ne3A_943 = arith.xori %lt3A_940, %lt3A_942 : i1
      %and3A_944 = arith.andi %ne3A_943, %ne3A_938 : i1
      %add3A_945 = arith.addi %rem3A_936, %select_n3A_935 : i32
      %select_n3A_946 = arith.select %and3A_944, %add3A_945, %rem3A_936 : i32
      %mul3A_947 = arith.constant 2 : i32
      %mul3A_948 = arith.muli %select_n3A_946, %mul3A_947 : i32
      %add3A_949 = arith.constant 0 : i32
      %add3A_950 = arith.addi %mul3A_948, %add3A_949 : i32
      %broadcast_in_dim3A_951 = arith.constant 0 : i32
      %broadcast_in_dim3A_952 = vector.broadcast %broadcast_in_dim3A_951 : i32 to vector<16xi32>
      %eq3A_953 = vector.broadcast %add3A_950 : i32 to vector<16xi32>
      %eq3A_954 = arith.cmpi eq, %iota3A, %eq3A_953 : vector<16xi32>
      %jit3A_955 = arith.constant 0 : i32
      %broadcast_in_dim3A_956 = vector.broadcast %jit3A_955 : i32 to vector<16xi32>
      %select_n3A_957 = arith.select %eq3A_954, %get3A_908, %broadcast_in_dim3A_956 : vector<16xi1>, vector<16xi32>
      %reduce_max3A_958 = arith.constant true
      %reduce_max3A_959 = vector.broadcast %reduce_max3A_958 : i1 to vector<16xi1>
      %reduce_max3A_960 = arith.constant -2147483648 : i32
      %reduce_max3A_961 = vector.broadcast %reduce_max3A_960 : i32 to vector<16xi32>
      %reduce_max3A_962 = arith.xori %select_n3A_957, %reduce_max3A_961 : vector<16xi32>
      %reduce_max3A_963 = tpu.scan <max>, %reduce_max3A_962 masked %reduce_max3A_959 : vector<16xi32>, vector<16xi1> -> vector<16xi32>
      %reduce_max3A_964 = arith.xori %reduce_max3A_963, %reduce_max3A_961 : vector<16xi32>
      %reduce_max3A_965 = vector.extract %reduce_max3A_964[15] : i32 from vector<16xi32>
      %eq3A_966 = vector.broadcast %add3A_950 : i32 to vector<16xi32>
      %eq3A_967 = arith.cmpi eq, %iota3A, %eq3A_966 : vector<16xi32>
      %jit3A_968 = arith.constant 0 : i32
      %broadcast_in_dim3A_969 = vector.broadcast %jit3A_968 : i32 to vector<16xi32>
      %select_n3A_970 = arith.select %eq3A_967, %get3A_910, %broadcast_in_dim3A_969 : vector<16xi1>, vector<16xi32>
      %reduce_max3A_971 = arith.constant true
      %reduce_max3A_972 = vector.broadcast %reduce_max3A_971 : i1 to vector<16xi1>
      %reduce_max3A_973 = arith.constant -2147483648 : i32
      %reduce_max3A_974 = vector.broadcast %reduce_max3A_973 : i32 to vector<16xi32>
      %reduce_max3A_975 = arith.xori %select_n3A_970, %reduce_max3A_974 : vector<16xi32>
      %reduce_max3A_976 = tpu.scan <max>, %reduce_max3A_975 masked %reduce_max3A_972 : vector<16xi32>, vector<16xi1> -> vector<16xi32>
      %reduce_max3A_977 = arith.xori %reduce_max3A_976, %reduce_max3A_974 : vector<16xi32>
      %reduce_max3A_978 = vector.extract %reduce_max3A_977[15] : i32 from vector<16xi32>
      %broadcast_in_dim3A_979 = arith.constant 0 : i32
      %broadcast_in_dim3A_980 = vector.broadcast %broadcast_in_dim3A_979 : i32 to vector<16xi32>
      %and3A_981 = arith.constant 127 : i32
      %and3A_982 = arith.andi %reduce_max3A_965, %and3A_981 : i32
      %add3A_983 = vector.broadcast %and3A_982 : i32 to vector<16xi32>
      %add3A_984 = arith.addi %broadcast_in_dim3A_980, %add3A_983 : vector<16xi32>
      %broadcast_in_dim3A_985 = arith.constant 0 : i32
      %broadcast_in_dim3A_986 = vector.broadcast %broadcast_in_dim3A_985 : i32 to vector<16xi32>
      %and3A_987 = arith.constant 127 : i32
      %and3A_988 = arith.andi %reduce_max3A_978, %and3A_987 : i32
      %add3A_989 = vector.broadcast %and3A_988 : i32 to vector<16xi32>
      %add3A_990 = arith.addi %broadcast_in_dim3A_986, %add3A_989 : vector<16xi32>
      %gather3A = tpu.vector_load_idx %arg9[%add3A_930, %broadcast_in_dim3A_952, %iota3A, %add3A_984] : memref<7x2x32x128xf32, #tpu.memory_space<vmem>>[vector<16xi32>, vector<16xi32>, vector<16xi32>, vector<16xi32>], vector<16xf32>,
      %gather3A_991 = tpu.vector_load_idx %arg9[%add3A_930, %broadcast_in_dim3A_952, %add3A_5, %add3A_984] : memref<7x2x32x128xf32, #tpu.memory_space<vmem>>[vector<16xi32>, vector<16xi32>, vector<16xi32>, vector<16xi32>], vector<16xf32>,
      %gather3A_992 = tpu.vector_load_idx %arg10[%add3A_930, %broadcast_in_dim3A_952, %iota3A, %add3A_990] : memref<7x2x32x128xf32, #tpu.memory_space<vmem>>[vector<16xi32>, vector<16xi32>, vector<16xi32>, vector<16xi32>], vector<16xf32>,
      %gather3A_993 = tpu.vector_load_idx %arg10[%add3A_930, %broadcast_in_dim3A_952, %add3A_5, %add3A_990] : memref<7x2x32x128xf32, #tpu.memory_space<vmem>>[vector<16xi32>, vector<16xi32>, vector<16xi32>, vector<16xi32>], vector<16xf32>,
      %mul3A_994 = arith.mulf %gather3A, %gather3A_992 : vector<16xf32>
      %mul3A_995 = arith.mulf %gather3A_991, %gather3A_993 : vector<16xf32>
      %add3A_996 = arith.addf %mul3A_994, %mul3A_995 : vector<16xf32>
      %reduce_sum3A = arith.constant true
      %reduce_sum3A_997 = vector.broadcast %reduce_sum3A : i1 to vector<16xi1>
      %reduce_sum3A_998 = tpu.scan <sum>, %add3A_996 masked %reduce_sum3A_997 : vector<16xf32>, vector<16xi1> -> vector<16xf32>
      %reduce_sum3A_999 = vector.extract %reduce_sum3A_998[15] : f32 from vector<16xf32>
      %broadcast_in_dim3A_1000 = arith.constant 0 : i32
      %broadcast_in_dim3A_1001 = vector.broadcast %broadcast_in_dim3A_1000 : i32 to vector<16xi32>
      %mul3A_1002 = arith.constant 2 : i32
      %mul3A_1003 = arith.muli %scan3A_817, %mul3A_1002 : i32
      %add3A_1004 = arith.constant 0 : i32
      %add3A_1005 = arith.addi %mul3A_1003, %add3A_1004 : i32
      %add3A_1006 = vector.broadcast %add3A_1005 : i32 to vector<16xi32>
      %add3A_1007 = arith.addi %broadcast_in_dim3A_1001, %add3A_1006 : vector<16xi32>
      %broadcast_in_dim3A_1008 = arith.constant 0.000000e+00 : f32
      %broadcast_in_dim3A_1009 = vector.broadcast %broadcast_in_dim3A_1008 : f32 to vector<16xf32>
      %add3A_1010 = vector.broadcast %reduce_sum3A_999 : f32 to vector<16xf32>
      %add3A_1011 = arith.addf %broadcast_in_dim3A_1009, %add3A_1010 : vector<16xf32>
      %eq3A_1012 = arith.constant 0 : i32
      %eq3A_1013 = vector.broadcast %eq3A_1012 : i32 to vector<16xi32>
      %eq3A_1014 = arith.cmpi eq, %iota3A, %eq3A_1013 : vector<16xi32>
      tpu.vector_store_idx %arg11[%add3A_1007], %add3A_1011 masked %eq3A_1014 : memref<512xf32, #tpu.memory_space<vmem>>[vector<16xi32>], vector<16xf32>, vector<16xi1>
      %jit3A_1015 = arith.constant 8 : i32
      %eq3A_1016 = arith.constant 0 : i32
      %eq3A_1017 = arith.cmpi eq, %jit3A_1015, %eq3A_1016 : i32
      %jit3A_1018 = arith.constant 1 : i32
      %select_n3A_1019 = arith.select %eq3A_1017, %jit3A_1018, %jit3A_1015 : i32
      %rem3A_1020 = arith.remsi %scan3A_817, %select_n3A_1019 : i32
      %ne3A_1021 = arith.constant 0 : i32
      %ne3A_1022 = arith.cmpi ne, %rem3A_1020, %ne3A_1021 : i32
      %lt3A_1023 = arith.constant 0 : i32
      %lt3A_1024 = arith.cmpi slt, %rem3A_1020, %lt3A_1023 : i32
      %lt3A_1025 = arith.constant 0 : i32
      %lt3A_1026 = arith.cmpi slt, %select_n3A_1019, %lt3A_1025 : i32
      %ne3A_1027 = arith.xori %lt3A_1024, %lt3A_1026 : i1
      %and3A_1028 = arith.andi %ne3A_1027, %ne3A_1022 : i1
      %add3A_1029 = arith.addi %rem3A_1020, %select_n3A_1019 : i32
      %select_n3A_1030 = arith.select %and3A_1028, %add3A_1029, %rem3A_1020 : i32
      %mul3A_1031 = arith.constant 2 : i32
      %mul3A_1032 = arith.muli %select_n3A_1030, %mul3A_1031 : i32
      %add3A_1033 = arith.constant 1 : i32
      %add3A_1034 = arith.addi %mul3A_1032, %add3A_1033 : i32
      %broadcast_in_dim3A_1035 = arith.constant 1 : i32
      %broadcast_in_dim3A_1036 = vector.broadcast %broadcast_in_dim3A_1035 : i32 to vector<16xi32>
      %eq3A_1037 = vector.broadcast %add3A_1034 : i32 to vector<16xi32>
      %eq3A_1038 = arith.cmpi eq, %iota3A, %eq3A_1037 : vector<16xi32>
      %jit3A_1039 = arith.constant 0 : i32
      %broadcast_in_dim3A_1040 = vector.broadcast %jit3A_1039 : i32 to vector<16xi32>
      %select_n3A_1041 = arith.select %eq3A_1038, %get3A_908, %broadcast_in_dim3A_1040 : vector<16xi1>, vector<16xi32>
      %reduce_max3A_1042 = arith.constant true
      %reduce_max3A_1043 = vector.broadcast %reduce_max3A_1042 : i1 to vector<16xi1>
      %reduce_max3A_1044 = arith.constant -2147483648 : i32
      %reduce_max3A_1045 = vector.broadcast %reduce_max3A_1044 : i32 to vector<16xi32>
      %reduce_max3A_1046 = arith.xori %select_n3A_1041, %reduce_max3A_1045 : vector<16xi32>
      %reduce_max3A_1047 = tpu.scan <max>, %reduce_max3A_1046 masked %reduce_max3A_1043 : vector<16xi32>, vector<16xi1> -> vector<16xi32>
      %reduce_max3A_1048 = arith.xori %reduce_max3A_1047, %reduce_max3A_1045 : vector<16xi32>
      %reduce_max3A_1049 = vector.extract %reduce_max3A_1048[15] : i32 from vector<16xi32>
      %eq3A_1050 = vector.broadcast %add3A_1034 : i32 to vector<16xi32>
      %eq3A_1051 = arith.cmpi eq, %iota3A, %eq3A_1050 : vector<16xi32>
      %jit3A_1052 = arith.constant 0 : i32
      %broadcast_in_dim3A_1053 = vector.broadcast %jit3A_1052 : i32 to vector<16xi32>
      %select_n3A_1054 = arith.select %eq3A_1051, %get3A_910, %broadcast_in_dim3A_1053 : vector<16xi1>, vector<16xi32>
      %reduce_max3A_1055 = arith.constant true
      %reduce_max3A_1056 = vector.broadcast %reduce_max3A_1055 : i1 to vector<16xi1>
      %reduce_max3A_1057 = arith.constant -2147483648 : i32
      %reduce_max3A_1058 = vector.broadcast %reduce_max3A_1057 : i32 to vector<16xi32>
      %reduce_max3A_1059 = arith.xori %select_n3A_1054, %reduce_max3A_1058 : vector<16xi32>
      %reduce_max3A_1060 = tpu.scan <max>, %reduce_max3A_1059 masked %reduce_max3A_1056 : vector<16xi32>, vector<16xi1> -> vector<16xi32>
      %reduce_max3A_1061 = arith.xori %reduce_max3A_1060, %reduce_max3A_1058 : vector<16xi32>
      %reduce_max3A_1062 = vector.extract %reduce_max3A_1061[15] : i32 from vector<16xi32>
      %broadcast_in_dim3A_1063 = arith.constant 0 : i32
      %broadcast_in_dim3A_1064 = vector.broadcast %broadcast_in_dim3A_1063 : i32 to vector<16xi32>
      %and3A_1065 = arith.constant 127 : i32
      %and3A_1066 = arith.andi %reduce_max3A_1049, %and3A_1065 : i32
      %add3A_1067 = vector.broadcast %and3A_1066 : i32 to vector<16xi32>
      %add3A_1068 = arith.addi %broadcast_in_dim3A_1064, %add3A_1067 : vector<16xi32>
      %broadcast_in_dim3A_1069 = arith.constant 0 : i32
      %broadcast_in_dim3A_1070 = vector.broadcast %broadcast_in_dim3A_1069 : i32 to vector<16xi32>
      %and3A_1071 = arith.constant 127 : i32
      %and3A_1072 = arith.andi %reduce_max3A_1062, %and3A_1071 : i32
      %add3A_1073 = vector.broadcast %and3A_1072 : i32 to vector<16xi32>
      %add3A_1074 = arith.addi %broadcast_in_dim3A_1070, %add3A_1073 : vector<16xi32>
      %gather3A_1075 = tpu.vector_load_idx %arg9[%add3A_930, %broadcast_in_dim3A_1036, %iota3A, %add3A_1068] : memref<7x2x32x128xf32, #tpu.memory_space<vmem>>[vector<16xi32>, vector<16xi32>, vector<16xi32>, vector<16xi32>], vector<16xf32>,
      %gather3A_1076 = tpu.vector_load_idx %arg9[%add3A_930, %broadcast_in_dim3A_1036, %add3A_5, %add3A_1068] : memref<7x2x32x128xf32, #tpu.memory_space<vmem>>[vector<16xi32>, vector<16xi32>, vector<16xi32>, vector<16xi32>], vector<16xf32>,
      %gather3A_1077 = tpu.vector_load_idx %arg10[%add3A_930, %broadcast_in_dim3A_1036, %iota3A, %add3A_1074] : memref<7x2x32x128xf32, #tpu.memory_space<vmem>>[vector<16xi32>, vector<16xi32>, vector<16xi32>, vector<16xi32>], vector<16xf32>,
      %gather3A_1078 = tpu.vector_load_idx %arg10[%add3A_930, %broadcast_in_dim3A_1036, %add3A_5, %add3A_1074] : memref<7x2x32x128xf32, #tpu.memory_space<vmem>>[vector<16xi32>, vector<16xi32>, vector<16xi32>, vector<16xi32>], vector<16xf32>,
      %mul3A_1079 = arith.mulf %gather3A_1075, %gather3A_1077 : vector<16xf32>
      %mul3A_1080 = arith.mulf %gather3A_1076, %gather3A_1078 : vector<16xf32>
      %add3A_1081 = arith.addf %mul3A_1079, %mul3A_1080 : vector<16xf32>
      %reduce_sum3A_1082 = arith.constant true
      %reduce_sum3A_1083 = vector.broadcast %reduce_sum3A_1082 : i1 to vector<16xi1>
      %reduce_sum3A_1084 = tpu.scan <sum>, %add3A_1081 masked %reduce_sum3A_1083 : vector<16xf32>, vector<16xi1> -> vector<16xf32>
      %reduce_sum3A_1085 = vector.extract %reduce_sum3A_1084[15] : f32 from vector<16xf32>
      %broadcast_in_dim3A_1086 = arith.constant 0 : i32
      %broadcast_in_dim3A_1087 = vector.broadcast %broadcast_in_dim3A_1086 : i32 to vector<16xi32>
      %mul3A_1088 = arith.constant 2 : i32
      %mul3A_1089 = arith.muli %scan3A_817, %mul3A_1088 : i32
      %add3A_1090 = arith.constant 1 : i32
      %add3A_1091 = arith.addi %mul3A_1089, %add3A_1090 : i32
      %add3A_1092 = vector.broadcast %add3A_1091 : i32 to vector<16xi32>
      %add3A_1093 = arith.addi %broadcast_in_dim3A_1087, %add3A_1092 : vector<16xi32>
      %broadcast_in_dim3A_1094 = arith.constant 0.000000e+00 : f32
      %broadcast_in_dim3A_1095 = vector.broadcast %broadcast_in_dim3A_1094 : f32 to vector<16xf32>
      %add3A_1096 = vector.broadcast %reduce_sum3A_1085 : f32 to vector<16xf32>
      %add3A_1097 = arith.addf %broadcast_in_dim3A_1095, %add3A_1096 : vector<16xf32>
      %eq3A_1098 = arith.constant 0 : i32
      %eq3A_1099 = vector.broadcast %eq3A_1098 : i32 to vector<16xi32>
      %eq3A_1100 = arith.cmpi eq, %iota3A, %eq3A_1099 : vector<16xi32>
      tpu.vector_store_idx %arg11[%add3A_1093], %add3A_1097 masked %eq3A_1100 : memref<512xf32, #tpu.memory_space<vmem>>[vector<16xi32>], vector<16xf32>, vector<16xi1>
    }
    %scan3A_816 = arith.constant 256 : i32
    "tpu.region"() ({
      %run_scoped3A = tpu.sem_alloc : memref<!tpu.dma_semaphore, #tpu.memory_space<semaphore_mem>>
      %dma_start3A_817 = tpu.memref_slice %arg6[%mul3A_2] : memref<16384xf32, #tpu.memory_space<hbm>> -> memref<512xf32, #tpu.memory_space<hbm>>
      %dma_start3A_818 = tpu.memref_slice %arg6[%mul3A_2] : memref<16384xf32, #tpu.memory_space<hbm>> -> memref<512xf32, #tpu.memory_space<hbm>>
      tpu.enqueue_dma source(%arg11 : memref<512xf32, #tpu.memory_space<vmem>>) target(%dma_start3A_818 : memref<512xf32, #tpu.memory_space<hbm>>) target_semaphore(%run_scoped3A : memref<!tpu.dma_semaphore, #tpu.memory_space<semaphore_mem>>)
      %dma_wait3A = tpu.memref_slice %arg6[%mul3A_2] : memref<16384xf32, #tpu.memory_space<hbm>> -> memref<512xf32, #tpu.memory_space<hbm>>
      %dma_wait3A_819 = tpu.memref_slice %arg6[%mul3A_2] : memref<16384xf32, #tpu.memory_space<hbm>> -> memref<512xf32, #tpu.memory_space<hbm>>
      tpu.wait_dma2 semaphore(%run_scoped3A : memref<!tpu.dma_semaphore, #tpu.memory_space<semaphore_mem>>) src(%arg11 : memref<512xf32, #tpu.memory_space<vmem>>) dst(%dma_wait3A_819 : memref<512xf32, #tpu.memory_space<hbm>>)
      tpu.yield
    }) : () -> ()
    return
  }
}

</mosaic_0001>

<sc_bundles>
// kernel: _run.3.cloned.1.call-start
scs
__scs_entry_jumppad:
0x0: {  	(pc) =	sbr.rel $0x88, $3  }
0x1: {  	(tag) =	ssettag $0x0;
	lr =	simm.s32 $0x1  }
0x2: {  	[smem:$0x3F9D] =	sst lr;
	_ =	strace $0xD0000000  }
0x3: {  	_ = 	snop  }
0x4: {  	_ = 	snop  }
0x5: {  	_ = 	snop  }
0x6: {  	_ = 	snop  }
0x7: {  	_ = 	snop  }
__scs_overlays_trampoline_lowered:
0x8: {  	[smem:$0x3FAC] =	sst s0  }
0x9: {  	[smem:$0x3FAD] =	sst s1  }
0xa: {  	[smem:$0x3FAE] =	sst s2  }
0xb: {  	[smem:$0x3FAF] =	sst s3  }
0xc: {  	[smem:$0x3FB0] =	sst s4  }
0xd: {  	[smem:$0x3FB1] =	sst s5  }
0xe: {  	[smem:$0x3FB2] =	sst s6  }
0xf: {  	[smem:$0x3FB3] =	sst s7  }
0x10: {  	[smem:$0x3FB4] =	sst s8  }
0x11: {  	[smem:$0x3FB5] =	sst s9;
	s0 =	simm.s32 @!p0 $0x0  }
0x12: {  	s1 =	sld [smem:$0x3F9B];
	s0 =	simm.s32 @p0 $0x1  }
0x13: {  	[smem:$0x3FB6] =	sst s0;
	s0 =	simm.s32 @!p1 $0x0  }
0x14: {  	s2 =	sld [smem:$0x3F9A];
	s0 =	simm.s32 @p1 $0x1  }
0x15: {  	[smem:$0x3FB7] =	sst s0;
	s0 =	simm.s32 @!p2 $0x0  }
0x16: {  	s3 =	sld [smem:$0x3FDB];
	s0 =	simm.s32 @p2 $0x1  }
0x17: {  	s4 =	simm.s32 $0x1BF5;
	[smem:$0x3FB9] =	sst s0  }
0x18: {  	s0 =	sld [smem:$0x3F9C];
	_ =	swait.ge [sflag:s4], $0x0  }
0x19: {  	s7 =	sld [smem:$0x3F9D]  }
0x1a: {  	s8 =	sadd.s32 $0xFFFFE003, lr  }
0x1b: {  	s9 =	sadd.s32 $0xFFFFFEF7, lr;
	s5 =	simm.s32 $0xFFFFFFFF;
	p2 =	slt.u32 s8, $0xFFFFF086  }
0x1c: {  	p1 =	slt.u32 s9, $0xF7A;
	s5 =	simm.s32 @!p2 $0x0  }
0x1d: {  	s5 =	simm.s32 @p1 $0x1;
	p0 =	seq.s32 s7, s2  }
0x1e: {  	s7 =	smul.u32 @!p0 $0xF7A, s2;
	p2 =	seq.s32 @!p0 s5, $0x0  }
0x1f: {  	s9 =	smul.u32 $0xF7A, s1;
	s8 =	simm.s32 @!p0 $0x1BF5;
	p2 =	por !p2, p0  }
0x20: {  	[sflag:s8] =	ssyncset.s32 @!p0 $0xFFFFF086;
	s6 =	sadd.s32 @!p0 s3, s7;
	s7 =	simm.s32 @!p0 $0x108  }
0x21: {  	s3 =	sadd.s32 s3, s9;
	s6 =	sadd.s32 @!p0 $0x88, s6;
	s7 =	simm.s32 @p2 $0x1082  }
0x22: {  	[simem:s7], [sflag:s8] =	dma.local @!p0 [hbm:s6], $0xF7A  }
0x23: {  	s9 =	sor.u32 $0xD0000000, s2;
	s6 =	simm.s32 $0x108;
	_ =	swait.ge @!p0 [sflag:s8], $0x0  }
0x24: {  	s3 =	sadd.s32 $0x88, s3;
	s6 =	simm.s32 @!p1 $0x1082;
	[sflag:s4] =	ssyncset.s32 $0xFFFFF086  }
0x25: {  	[simem:s6], [sflag:s4] =	dma.local [hbm:s3], $0xF7A  }
0x26: {  	[smem:$0x3F9D] =	sst s1;
	(tag) =	ssettag s2;
	_ =	strace s9  }
0x27: {  	s1 =	sld [smem:$0x3FAD]  }
0x28: {  	s2 =	sld [smem:$0x3FAE]  }
0x29: {  	s4 =	sld [smem:$0x3FB0]  }
0x2a: {  	p0 =	seq.s32 s5, $0x0;
	s5 =	sld [smem:$0x3FB1]  }
0x2b: {  	s6 =	sld [smem:$0x3FB2]  }
0x2c: {  	s7 =	sld [smem:$0x3FB3]  }
0x2d: {  	s3 =	simm.s32 $0x108;
	s8 =	sld [smem:$0x3FB4]  }
0x2e: {  	s3 =	simm.s32 @!p0 $0x1082;
	s9 =	sld [smem:$0x3FB5]  }
0x2f: {  	lr =	sadd.s32 s0, s3;
	s0 =	sld [smem:$0x3FAC]  }
0x30: {  	s3 =	sld [smem:$0x3FAF]  }
0x31: {  	[smem:$0x3FB8] =	sst s10  }
0x32: {  	s10 =	sld [smem:$0x3FB6];
	_ =	sdelay $0x3  }
0x33: {  	p0 =	seq.s32 s10, $0x1;
	s10 =	sld [smem:$0x3FB8];
	_ =	sdelay $0x3  }
0x34: {  	[smem:$0x3FB8] =	sst s10  }
0x35: {  	s10 =	sld [smem:$0x3FB7];
	_ =	sdelay $0x3  }
0x36: {  	p1 =	seq.s32 s10, $0x1;
	s10 =	sld [smem:$0x3FB8];
	_ =	sdelay $0x3  }
0x37: {  	[smem:$0x3FB8] =	sst s10  }
0x38: {  	s10 =	sld [smem:$0x3FB9]  }
0x39: {  	_ = 	snop;
	(pc) =	sbr.ind lr, $3  }
0x3a: {  	_ = 	snop  }
0x3b: {  	_ = 	snop  }
0x3c: {  	p2 =	seq.s32 s10, $0x1;
	s10 =	sld [smem:$0x3FB8]  }
0x3d: {  	_ =	shalt  }
0x3e: {  	_ =	shalt  }
0x3f: {  	_ =	shalt  }
0x40: {  	_ =	shalt  }
0x41: {  	_ =	shalt  }
0x42: {  	_ =	shalt  }
0x43: {  	_ =	shalt  }
0x44: {  	_ =	shalt  }
0x45: {  	_ =	shalt  }
0x46: {  	_ =	shalt  }
0x47: {  	_ =	shalt  }
0x48: {  	_ =	shalt  }
0x49: {  	_ =	shalt  }
0x4a: {  	_ =	shalt  }
0x4b: {  	_ =	shalt  }
0x4c: {  	_ =	shalt  }
0x4d: {  	_ =	shalt  }
0x4e: {  	_ =	shalt  }
0x4f: {  	_ =	shalt  }
0x50: {  	_ =	shalt  }
0x51: {  	_ =	shalt  }
0x52: {  	_ =	shalt  }
0x53: {  	_ =	shalt  }
0x54: {  	_ =	shalt  }
0x55: {  	_ =	shalt  }
0x56: {  	_ =	shalt  }
0x57: {  	_ =	shalt  }
0x58: {  	_ =	shalt  }
0x59: {  	_ =	shalt  }
0x5a: {  	_ =	shalt  }
0x5b: {  	_ =	shalt  }
0x5c: {  	_ =	shalt  }
0x5d: {  	_ =	shalt  }
0x5e: {  	_ =	shalt  }
0x5f: {  	_ =	shalt  }
0x60: {  	_ =	shalt  }
0x61: {  	_ =	shalt  }
0x62: {  	_ =	shalt  }
0x63: {  	_ =	shalt  }
0x64: {  	_ =	shalt  }
0x65: {  	_ =	shalt  }
0x66: {  	_ =	shalt  }
0x67: {  	_ =	shalt  }
0x68: {  	_ =	shalt  }
0x69: {  	_ =	shalt  }
0x6a: {  	_ =	shalt  }
0x6b: {  	_ =	shalt  }
0x6c: {  	_ =	shalt  }
0x6d: {  	_ =	shalt  }
0x6e: {  	_ =	shalt  }
0x6f: {  	_ =	shalt  }
0x70: {  	_ =	shalt  }
0x71: {  	_ =	shalt  }
0x72: {  	_ =	shalt  }
0x73: {  	_ =	shalt  }
0x74: {  	_ =	shalt  }
0x75: {  	_ =	shalt  }
0x76: {  	_ =	shalt  }
0x77: {  	_ =	shalt  }
0x78: {  	_ =	shalt  }
0x79: {  	_ =	shalt  }
0x7a: {  	_ =	shalt  }
0x7b: {  	_ =	shalt  }
0x7c: {  	_ =	shalt  }
0x7d: {  	_ =	shalt  }
0x7e: {  	_ =	shalt  }
0x7f: {  	_ =	shalt  }
0x80: {  	_ =	shalt  }
0x81: {  	_ =	shalt  }
0x82: {  	_ =	shalt  }
0x83: {  	_ =	shalt  }
0x84: {  	_ =	shalt  }
0x85: {  	_ =	shalt  }
0x86: {  	_ =	shalt  }
0x87: {  	_ =	shalt  }
.Lfunc_end0:
.L_simem_size_0:
called_computation_lowered:
.L_overlay_start_0:
0x88: {  	s2 =	sld [smem:$0x3FD9]  }
0x89: {  	s3 =	sld [smem:$0x3FFE];
	_ =	sdelay $0x1  }
0x8a: {  	s1 =	srdreg.scid  }
0x8b: {  	s0 =	sand.u32 $0x1, s1  }
0x8c: {  	s18 =	sshll.u32 s0, $0xA;
	s2 =	sadd.s32 s3, s2  }
0x8d: {  	s2 =	sadd.s32 s2, s18  }
0x8e: {  	[smem:$0x3FC4] =	sst s2  }
0x8f: {  	_ = 	snop  }
0x90: {  	s2 =	sld [smem:$0x3FC9]  }
0x91: {  	s19 =	sld [smem:$0x3FC8]  }
0x92: {  	s4 =	sld [smem:$0x3FC7]  }
0x93: {  	s5 =	sld [smem:$0x3FC6]  }
0x94: {  	s6 =	sld [smem:$0x3FD0];
	(tm) =	ssettm $0x1  }
0x95: {  	s7 =	sld [smem:$0x3FFB];
	_ =	sdelay $0x3  }
0x96: {  	_ =	strace s7  }
0x97: {  	s7 =	sld [smem:$0x3FFC];
	_ =	sdelay $0x3  }
0x98: {  	_ =	strace s7  }
0x99: {  	s7 =	sld [smem:$0x3FFD];
	_ =	sdelay $0x3  }
0x9a: {  	_ =	strace s7  }
0x9b: {  	_ =	strace $0x8FFFFFFF  }
0x9c: {  	s20 =	sld [smem:$0x3FDB];
	_ =	sdelay $0x1  }
0x9d: {  	s8 =	simm.s32 $_scs_section_size  }
0x9e: {  	s9 =	simm.s32 $_size__tile_overlayer_lowered;
	s10 =	simm.s32 $_tile_overlayer_lowered  }
0x9f: {  	s23 =	simm.s32 $0x1BFF;
	s22 =	sshll.u32 s10, $0x1;
	s7 =	sadd.s32 s8, s20  }
0xa0: {  	s11 =	simm.s32 $0x0;
	s21 =	sshll.u32 s9, $0x1;
	s9 =	sadd.s32 s22, s7  }
0xa1: {  	[timem:s11], [sflag:s23] =	dma.local [hbm:s9], s21  }
0xa2: {  	_ =	swait.ge [sflag:s23], s21  }
0xa3: {  	s8 =	ssub.s32 $0x0, s21;
	[sflag:s23] =	ssyncset.done $0x0  }
0xa4: {  	[sflag:s23] =	ssyncadd.s32 s8;
	_ =	sdelay $0x1  }
0xa5: {  	s24 =	simm.s32 $0x1B8B  }
0xa6: {  	_ =	swait.ge [sflag:s24], $0x1  }
0xa7: {  	[sflag:s24] =	ssyncset.done $0x0  }
0xa8: {  	s25 =	simm.s32 $0x1B8E;
	[sflag:s24] =	ssyncadd.s32 $0xFFFFFFFF  }
0xa9: {  	s26 =	simm.s32 $execute0_lowered;
	[smem:$0x3FD2] =	sst s25  }
0xaa: {  	s8 =	sshll.u32 s26, $0x1;
	_ =	strace $0x80000046;
	[dreg:$0x1] =	wrdreg $0xFFFFFFFF  }
0xab: {  	s28 =	simm.s32 $_size_execute0_lowered;
	s7 =	sadd.s32 s7, s8;
	[dreg:$0x0] =	wrdreg $0x0  }
0xac: {  	s8 =	sshll.u32 s28, $0x1;
	[dreg:$0x2] =	wrdreg s7  }
0xad: {  	[dreg:$0x3] =	wrdreg s8  }
0xae: {  	[dreg:$0x4] =	wrdreg $0xC0  }
0xaf: {  	_ =	task [dreg:s11], $0x5FFFF  }
0xb0: {  	[dreg:$0x1] =	wrdreg $0xFFFFFFFF  }
0xb1: {  	[dreg:$0x0] =	wrdreg $0x60  }
0xb2: {  	[dreg:$0x2] =	wrdreg s2  }
0xb3: {  	[dreg:$0x3] =	wrdreg s19  }
0xb4: {  	[dreg:$0x4] =	wrdreg s4  }
0xb5: {  	[dreg:$0x5] =	wrdreg s5  }
0xb6: {  	[dreg:$0x6] =	wrdreg s6  }
0xb7: {  	[dreg:$0x7] =	wrdreg $0x9  }
0xb8: {  	_ =	task.clear_ibuf [dreg:s11], $0x8FFFF;
	_ =	strace $0x90000046  }
0xb9: {  	s29 =	simm.s32 $0x9;
	_ =	strace $0x80000048  }
0xba: {  	_ =	swait.ge [sflag:s29], $0x1  }
0xbb: {  	[sflag:s29] =	ssyncadd.s32 $0xFFFFFFFF  }
0xbc: {  	_ =	strace $0x90000048  }
0xbd: {  	_ =	sfence  }
0xbe: {  	s30 =	sld [smem:$0x0];
	_ =	sdelay $0x2  }
0xbf: {  	s31 =	sshll.u32 s1, $0xD;
	s1 =	sshrl.u32 s1, $0x2  }
0xc0: {  	s3 =	sand.u32 $0x4000, s31;
	s1 =	sadd.s32 s1, s30  }
0xc1: {  	s0 =	sor.u32 s3, s0;
	s1 =	sshll.u32 s1, $0x11  }
0xc2: {  	s0 =	sor.u32 s1, s0  }
0xc3: {  	s0 =	sadd.s32 $0x8F2B, s0  }
0xc4: {  	[sflag:s0] =	ssyncadd.remote.s32 $0x1  }
0xc5: {  	_ =	sfence.sel $0xFFFF  }
0xc6: {  	[dreg:$0x0] =	wrdreg $0xFFFFFFFF;
	(pc) =	sbr.abs _section_cstart, $3  }
0xc7: {  	[dreg:$0x1] =	wrdreg $0xFFFFFFFF  }
0xc8: {  	_ =	task.clear_ibuf [dreg:s11], $0x2FFFF;
	_ =	strace $0x9FFFFFFF  }
0xc9: {  	(tm) =	ssettm $0x7FFFFFFF  }
tec
execute0_lowered:
.L_overlay_start_1:
0x0: {  	(tag) =	ssettag $0x1  }
0x1: {  	s0 =	rddreg [dreg:$0x0]  }
0x2: {  	s3 =	rddreg [dreg:$0x1]  }
0x3: {  	s1 =	rddreg [dreg:$0x2]  }
0x4: {  	s2 =	rddreg [dreg:$0x3]  }
0x5: {  	s7 =	rddreg [dreg:$0x4];
	s4 =	simm.s32 $0x0  }
0x6: {  	s5 =	srdreg.scid;
	s8 =	stileid.u32;
	s11 =	simm.s32 $0x7A1400  }
0x7: {  	s12 =	simm.s32 $0x400;
	s13 =	simm.s32 $0xE400;
	s10 =	simm.s32 $0x18400  }
0x8: {  	s14 =	simm.s32 $0xB400;
	s15 =	simm.s32 $0x19400;
	s16 =	simm.s32 $0x1  }
0x9: {  	vm0 =	vmmov $0x1;
	vm1 =	vcmask $0x308;
	s17 =	simm.s32 $0x2;
	s18 =	simm.s32 $0x1C400;
	s5 =	sand.u32 $0x1, s5  }
0xa: {  	vm2 =	vcmask $0x70C;
	vm3 =	vcmask $0xB10;
	vm4 =	vcmask $0xF14;
	s19 =	simm.s32 $0x0;
	[smem:$0x7FF] =	sst s4;
	s6 =	ssub.s32 $0x2, s5  }
0xb: {  	vm5 =	vcmask $0x1318;
	vm6 =	vcmask $0x171C;
	v0 =	vlaneseq.u32;
	s8 =	sshll.u32 s8, $0x7;
	s5 =	sshll.u32 s5, $0x6;
	s9 =	sshrl.u32 s6, $0x1  }
0xc: {  	vm7 =	vcmask $0x1B20;
	vm8 =	vcmask $0x1F24;
	v1 =	vmul.u32 $0x80, v0;
	_ =	strace $0x80000047;
	s8 =	sor.u32 s5, s8;
	s9 =	ssub.s32 s6, s9  }
0xd: {  	vm9 =	vcmask $0x2328;
	vm10 =	vcmask $0x272C;
	vm11 =	vcmask $0x2B30;
	s5 =	sadd.s32 s0, s8;
	s6 =	sadd.s32 s3, s8;
	s7 =	sadd.s32 s7, s8  }
0xe: {  	v2 =	vor.u32 $0x800, v1;
	v3 =	vor.u32 $0x1000, v1;
	v4 =	vor.u32 $0x1800, v1;
	s3 =	simm.s32 $0xA400;
	s8 =	smax.u32 s9, $0x1;
	s9 =	simm.s32 $0x3  }
.LBB2_1:
0xf: {  	[tilespmem:s4], [sflag:$0x3] =	stream.linear.gather [hbm4b:s5+s4], $0x200, $0x38;
	[tilespmem:$0x1C600] =	vst v63  }
0x10: {  	_ =	swait.ge [sflag:s9], $0x200  }
0x11: {  	[sflag:s9] =	ssyncset.done $0x0  }
0x12: {  	s0 =	simm.s32 $0x200;
	[sflag:s9] =	ssyncadd.s32 $0xFFFFFE00  }
0x13: {  	[tilespmem:s0], [sflag:$0x3] =	stream.linear.gather [hbm4b:s6+s4], $0x200, $0x38;
	[tilespmem:$0x1C600] =	vst v63  }
0x14: {  	_ =	swait.ge [sflag:s9], $0x200  }
0x15: {  	[sflag:s9] =	ssyncset.done $0x0  }
0x16: {  	[sflag:s9] =	ssyncadd.s32 $0xFFFFFE00  }
0x17: {  	v5 =	vld [tilespmem:$0x0];
	_ =	sdelay $0x1  }
0x18: {  	v6 =	vld [tilespmem:$0x200];
	_ =	sdelay $0x2  }
0x19: {  	v7 =	vnsel vm0, $0x0, v5  }
0x1a: {  	v7 =	vxor.u32 $0x80000000, v7  }
0x1b: {  	(xrf0) =	vmax.scan.msk.u32 $0xffff, v7;
	v7 =	vnsel vm0, $0x0, v6  }
0x1c: {  	v7 =	vxor.u32 $0x80000000, v7  }
0x1d: {  	(xrf0) =	vmax.scan.msk.u32 $0xffff, v7;
	_ =	sdelay $0x1  }
0x1e: {  	v5 =	vsel vm1, $0x0, v5  }
0x1f: {  	v5 =	vxor.u32 $0x80000000, v5  }
0x20: {  	v7, _, _ =	vpop (xrf0)  }
0x21: {  	(xrf0) =	vmax.scan.msk.u32 $0xffff, v5;
	(v2sf) =	vpush v7, $0xF  }
0x22: {  	v5, _, _ =	vpop (xrf0)  }
0x23: {  	v6 =	vsel vm1, $0x0, v6;
	(v2sf) =	vpush v5, $0xF  }
0x24: {  	v5 =	vxor.u32 $0x80000000, v6  }
0x25: {  	(xrf0) =	vmax.scan.msk.u32 $0xffff, v5;
	_ =	sdelay $0x1  }
0x26: {  	v5, _, _ =	vpop (xrf0)  }
0x27: {  	(v2sf) =	vpush v5, $0xF;
	_ =	sdelay $0x2  }
0x28: {  	v5, _, _ =	vpop (xrf0)  }
0x29: {  	(v2sf) =	vpush v5, $0xF;
	_ =	sdelay $0x3  }
0x2a: {  	s20 =	spop (v2sf)  }
0x2b: {  	s20 =	sand.u32 $0x1FFFFF80, s20  }
0x2c: {  	s20 =	sadd.s32 s1, s20;
	s29 =	spop (v2sf)  }
0x2d: {  	[tilespmem:s12], [sflag:$0x1] =	stream.strided.gather [hbm4b:s20+s12], $0x1000, s11, s12, $0x38;
	[tilespmem:$0x1C600] =	vst v63  }
0x2e: {  	s20 =	sand.u32 $0x1FFFFF80, s29  }
0x2f: {  	s20 =	sadd.s32 s2, s20  }
0x30: {  	[tilespmem:s13], [sflag:$0x2] =	stream.strided.gather [hbm4b:s20+s12], $0x1000, s11, s12, $0x38;
	[tilespmem:$0x1C600] =	vst v63  }
0x31: {  	s30 =	spop (v2sf)  }
0x32: {  	s20 =	sand.u32 $0x1FFFFF80, s30  }
0x33: {  	s31 =	simm.s32 $0x1400;
	s20 =	sadd.s32 s1, s20  }
0x34: {  	[tilespmem:s31], [sflag:$0x1] =	stream.strided.gather [hbm4b:s20+s12], $0x1000, s11, s12, $0x38;
	[tilespmem:$0x1C600] =	vst v63  }
0x35: {  	s21 =	spop (v2sf)  }
0x36: {  	s20 =	sand.u32 $0x1FFFFF80, s21  }
0x37: {  	s22 =	simm.s32 $0xF400;
	s20 =	sadd.s32 s2, s20  }
0x38: {  	[tilespmem:s22], [sflag:$0x2] =	stream.strided.gather [hbm4b:s20+s12], $0x1000, s11, s12, $0x38;
	[tilespmem:$0x1C600] =	vst v63  }
0x39: {  	v5 =	vld [tilespmem:$0x0];
	_ =	sdelay $0x1  }
0x3a: {  	v6 =	vld [tilespmem:$0x200];
	_ =	sdelay $0x2  }
0x3b: {  	v7 =	vsel vm2, $0x0, v5  }
0x3c: {  	v7 =	vxor.u32 $0x80000000, v7  }
0x3d: {  	(xrf0) =	vmax.scan.msk.u32 $0xffff, v7;
	v7 =	vsel vm2, $0x0, v6  }
0x3e: {  	v7 =	vxor.u32 $0x80000000, v7  }
0x3f: {  	(xrf0) =	vmax.scan.msk.u32 $0xffff, v7;
	_ =	sdelay $0x1  }
0x40: {  	v5 =	vsel vm3, $0x0, v5  }
0x41: {  	v5 =	vxor.u32 $0x80000000, v5  }
0x42: {  	v7, _, _ =	vpop (xrf0)  }
0x43: {  	(xrf0) =	vmax.scan.msk.u32 $0xffff, v5;
	(v2sf) =	vpush v7, $0xF  }
0x44: {  	v5, _, _ =	vpop (xrf0)  }
0x45: {  	v6 =	vsel vm3, $0x0, v6;
	(v2sf) =	vpush v5, $0xF  }
0x46: {  	v5 =	vxor.u32 $0x80000000, v6  }
0x47: {  	(xrf0) =	vmax.scan.msk.u32 $0xffff, v5;
	_ =	sdelay $0x1  }
0x48: {  	v5, _, _ =	vpop (xrf0)  }
0x49: {  	(v2sf) =	vpush v5, $0xF;
	_ =	sdelay $0x2  }
0x4a: {  	v5, _, _ =	vpop (xrf0)  }
0x4b: {  	(v2sf) =	vpush v5, $0xF;
	_ =	sdelay $0x3  }
0x4c: {  	s23 =	spop (v2sf)  }
0x4d: {  	s20 =	sand.u32 $0x1FFFFF80, s23  }
0x4e: {  	s24 =	simm.s32 $0x2400;
	s20 =	sadd.s32 s1, s20;
	s25 =	spop (v2sf)  }
0x4f: {  	[tilespmem:s24], [sflag:$0x1] =	stream.strided.gather [hbm4b:s20+s12], $0x1000, s11, s12, $0x38;
	[tilespmem:$0x1C600] =	vst v63  }
0x50: {  	s20 =	sand.u32 $0x1FFFFF80, s25  }
0x51: {  	s26 =	simm.s32 $0x10400;
	s20 =	sadd.s32 s2, s20  }
0x52: {  	[tilespmem:s26], [sflag:$0x2] =	stream.strided.gather [hbm4b:s20+s12], $0x1000, s11, s12, $0x38;
	[tilespmem:$0x1C600] =	vst v63  }
0x53: {  	s28 =	spop (v2sf)  }
0x54: {  	s20 =	sand.u32 $0x1FFFFF80, s28  }
0x55: {  	s29 =	simm.s32 $0x3400;
	s20 =	sadd.s32 s1, s20  }
0x56: {  	[tilespmem:s29], [sflag:$0x1] =	stream.strided.gather [hbm4b:s20+s12], $0x1000, s11, s12, $0x38;
	[tilespmem:$0x1C600] =	vst v63  }
0x57: {  	s30 =	spop (v2sf)  }
0x58: {  	s20 =	sand.u32 $0x1FFFFF80, s30  }
0x59: {  	s31 =	simm.s32 $0x11400;
	s20 =	sadd.s32 s2, s20  }
0x5a: {  	[tilespmem:s31], [sflag:$0x2] =	stream.strided.gather [hbm4b:s20+s12], $0x1000, s11, s12, $0x38;
	[tilespmem:$0x1C600] =	vst v63  }
0x5b: {  	v5 =	vld [tilespmem:$0x0];
	_ =	sdelay $0x1  }
0x5c: {  	v6 =	vld [tilespmem:$0x200];
	_ =	sdelay $0x2  }
0x5d: {  	v7 =	vsel vm4, $0x0, v5  }
0x5e: {  	v7 =	vxor.u32 $0x80000000, v7  }
0x5f: {  	(xrf0) =	vmax.scan.msk.u32 $0xffff, v7;
	v7 =	vsel vm4, $0x0, v6  }
0x60: {  	v7 =	vxor.u32 $0x80000000, v7  }
0x61: {  	(xrf0) =	vmax.scan.msk.u32 $0xffff, v7;
	_ =	sdelay $0x1  }
0x62: {  	v5 =	vsel vm5, $0x0, v5  }
0x63: {  	v5 =	vxor.u32 $0x80000000, v5  }
0x64: {  	v7, _, _ =	vpop (xrf0)  }
0x65: {  	(xrf0) =	vmax.scan.msk.u32 $0xffff, v5;
	(v2sf) =	vpush v7, $0xF  }
0x66: {  	v5, _, _ =	vpop (xrf0)  }
0x67: {  	v6 =	vsel vm5, $0x0, v6;
	(v2sf) =	vpush v5, $0xF  }
0x68: {  	v5 =	vxor.u32 $0x80000000, v6  }
0x69: {  	(xrf0) =	vmax.scan.msk.u32 $0xffff, v5;
	_ =	sdelay $0x1  }
0x6a: {  	v5, _, _ =	vpop (xrf0)  }
0x6b: {  	(v2sf) =	vpush v5, $0xF;
	_ =	sdelay $0x2  }
0x6c: {  	v5, _, _ =	vpop (xrf0)  }
0x6d: {  	(v2sf) =	vpush v5, $0xF;
	_ =	sdelay $0x3  }
0x6e: {  	s21 =	spop (v2sf)  }
0x6f: {  	s20 =	sand.u32 $0x1FFFFF80, s21  }
0x70: {  	s22 =	simm.s32 $0x4400;
	s20 =	sadd.s32 s1, s20;
	s23 =	spop (v2sf)  }
0x71: {  	[tilespmem:s22], [sflag:$0x1] =	stream.strided.gather [hbm4b:s20+s12], $0x1000, s11, s12, $0x38;
	[tilespmem:$0x1C600] =	vst v63  }
0x72: {  	s20 =	sand.u32 $0x1FFFFF80, s23  }
0x73: {  	s24 =	simm.s32 $0x12400;
	s20 =	sadd.s32 s2, s20  }
0x74: {  	[tilespmem:s24], [sflag:$0x2] =	stream.strided.gather [hbm4b:s20+s12], $0x1000, s11, s12, $0x38;
	[tilespmem:$0x1C600] =	vst v63  }
0x75: {  	s25 =	spop (v2sf)  }
0x76: {  	s20 =	sand.u32 $0x1FFFFF80, s25  }
0x77: {  	s26 =	simm.s32 $0x5400;
	s20 =	sadd.s32 s1, s20  }
0x78: {  	[tilespmem:s26], [sflag:$0x1] =	stream.strided.gather [hbm4b:s20+s12], $0x1000, s11, s12, $0x38;
	[tilespmem:$0x1C600] =	vst v63  }
0x79: {  	s28 =	spop (v2sf)  }
0x7a: {  	s20 =	sand.u32 $0x1FFFFF80, s28  }
0x7b: {  	s29 =	simm.s32 $0x13400;
	s20 =	sadd.s32 s2, s20  }
0x7c: {  	[tilespmem:s29], [sflag:$0x2] =	stream.strided.gather [hbm4b:s20+s12], $0x1000, s11, s12, $0x38;
	[tilespmem:$0x1C600] =	vst v63  }
0x7d: {  	v5 =	vld [tilespmem:$0x0];
	_ =	sdelay $0x1  }
0x7e: {  	v6 =	vld [tilespmem:$0x200];
	_ =	sdelay $0x2  }
0x7f: {  	v7 =	vsel vm6, $0x0, v5  }
0x80: {  	v7 =	vxor.u32 $0x80000000, v7  }
0x81: {  	(xrf0) =	vmax.scan.msk.u32 $0xffff, v7;
	v7 =	vsel vm6, $0x0, v6  }
0x82: {  	v7 =	vxor.u32 $0x80000000, v7  }
0x83: {  	(xrf0) =	vmax.scan.msk.u32 $0xffff, v7;
	_ =	sdelay $0x1  }
0x84: {  	v5 =	vsel vm7, $0x0, v5  }
0x85: {  	v5 =	vxor.u32 $0x80000000, v5  }
0x86: {  	v7, _, _ =	vpop (xrf0)  }
0x87: {  	(xrf0) =	vmax.scan.msk.u32 $0xffff, v5;
	(v2sf) =	vpush v7, $0xF  }
0x88: {  	v5, _, _ =	vpop (xrf0)  }
0x89: {  	v6 =	vsel vm7, $0x0, v6;
	(v2sf) =	vpush v5, $0xF  }
0x8a: {  	v5 =	vxor.u32 $0x80000000, v6  }
0x8b: {  	(xrf0) =	vmax.scan.msk.u32 $0xffff, v5;
	_ =	sdelay $0x1  }
0x8c: {  	v5, _, _ =	vpop (xrf0)  }
0x8d: {  	(v2sf) =	vpush v5, $0xF;
	_ =	sdelay $0x2  }
0x8e: {  	v5, _, _ =	vpop (xrf0)  }
0x8f: {  	(v2sf) =	vpush v5, $0xF;
	_ =	sdelay $0x3  }
0x90: {  	s30 =	spop (v2sf)  }
0x91: {  	s20 =	sand.u32 $0x1FFFFF80, s30  }
0x92: {  	s31 =	simm.s32 $0x6400;
	s20 =	sadd.s32 s1, s20;
	s21 =	spop (v2sf)  }
0x93: {  	[tilespmem:s31], [sflag:$0x1] =	stream.strided.gather [hbm4b:s20+s12], $0x1000, s11, s12, $0x38;
	[tilespmem:$0x1C600] =	vst v63  }
0x94: {  	s20 =	sand.u32 $0x1FFFFF80, s21  }
0x95: {  	s22 =	simm.s32 $0x14400;
	s20 =	sadd.s32 s2, s20  }
0x96: {  	[tilespmem:s22], [sflag:$0x2] =	stream.strided.gather [hbm4b:s20+s12], $0x1000, s11, s12, $0x38;
	[tilespmem:$0x1C600] =	vst v63  }
0x97: {  	s23 =	spop (v2sf)  }
0x98: {  	s20 =	sand.u32 $0x1FFFFF80, s23  }
0x99: {  	s24 =	simm.s32 $0x7400;
	s20 =	sadd.s32 s1, s20  }
0x9a: {  	[tilespmem:s24], [sflag:$0x1] =	stream.strided.gather [hbm4b:s20+s12], $0x1000, s11, s12, $0x38;
	[tilespmem:$0x1C600] =	vst v63  }
0x9b: {  	s25 =	spop (v2sf)  }
0x9c: {  	s20 =	sand.u32 $0x1FFFFF80, s25  }
0x9d: {  	s26 =	simm.s32 $0x15400;
	s20 =	sadd.s32 s2, s20  }
0x9e: {  	[tilespmem:s26], [sflag:$0x2] =	stream.strided.gather [hbm4b:s20+s12], $0x1000, s11, s12, $0x38;
	[tilespmem:$0x1C600] =	vst v63  }
0x9f: {  	v5 =	vld [tilespmem:$0x0];
	_ =	sdelay $0x1  }
0xa0: {  	v6 =	vld [tilespmem:$0x200];
	_ =	sdelay $0x2  }
0xa1: {  	v7 =	vsel vm8, $0x0, v5  }
0xa2: {  	v7 =	vxor.u32 $0x80000000, v7  }
0xa3: {  	(xrf0) =	vmax.scan.msk.u32 $0xffff, v7;
	v7 =	vsel vm8, $0x0, v6  }
0xa4: {  	v7 =	vxor.u32 $0x80000000, v7  }
0xa5: {  	(xrf0) =	vmax.scan.msk.u32 $0xffff, v7;
	_ =	sdelay $0x1  }
0xa6: {  	v5 =	vsel vm9, $0x0, v5  }
0xa7: {  	v5 =	vxor.u32 $0x80000000, v5  }
0xa8: {  	v7, _, _ =	vpop (xrf0)  }
0xa9: {  	(xrf0) =	vmax.scan.msk.u32 $0xffff, v5;
	(v2sf) =	vpush v7, $0xF  }
0xaa: {  	v5, _, _ =	vpop (xrf0)  }
0xab: {  	v6 =	vsel vm9, $0x0, v6;
	(v2sf) =	vpush v5, $0xF  }
0xac: {  	v5 =	vxor.u32 $0x80000000, v6  }
0xad: {  	(xrf0) =	vmax.scan.msk.u32 $0xffff, v5;
	_ =	sdelay $0x1  }
0xae: {  	v5, _, _ =	vpop (xrf0)  }
0xaf: {  	(v2sf) =	vpush v5, $0xF;
	_ =	sdelay $0x2  }
0xb0: {  	v5, _, _ =	vpop (xrf0)  }
0xb1: {  	(v2sf) =	vpush v5, $0xF;
	_ =	sdelay $0x3  }
0xb2: {  	s28 =	spop (v2sf)  }
0xb3: {  	s20 =	sand.u32 $0x1FFFFF80, s28  }
0xb4: {  	s29 =	simm.s32 $0x8400;
	s20 =	sadd.s32 s1, s20;
	s30 =	spop (v2sf)  }
0xb5: {  	[tilespmem:s29], [sflag:$0x1] =	stream.strided.gather [hbm4b:s20+s12], $0x1000, s11, s12, $0x38;
	[tilespmem:$0x1C600] =	vst v63  }
0xb6: {  	s20 =	sand.u32 $0x1FFFFF80, s30  }
0xb7: {  	s31 =	simm.s32 $0x16400;
	s20 =	sadd.s32 s2, s20  }
0xb8: {  	[tilespmem:s31], [sflag:$0x2] =	stream.strided.gather [hbm4b:s20+s12], $0x1000, s11, s12, $0x38;
	[tilespmem:$0x1C600] =	vst v63  }
0xb9: {  	s21 =	spop (v2sf)  }
0xba: {  	s20 =	sand.u32 $0x1FFFFF80, s21  }
0xbb: {  	s22 =	simm.s32 $0x9400;
	s20 =	sadd.s32 s1, s20  }
0xbc: {  	[tilespmem:s22], [sflag:$0x1] =	stream.strided.gather [hbm4b:s20+s12], $0x1000, s11, s12, $0x38;
	[tilespmem:$0x1C600] =	vst v63  }
0xbd: {  	s23 =	spop (v2sf)  }
0xbe: {  	s20 =	sand.u32 $0x1FFFFF80, s23  }
0xbf: {  	s24 =	simm.s32 $0x17400;
	s20 =	sadd.s32 s2, s20  }
0xc0: {  	[tilespmem:s24], [sflag:$0x2] =	stream.strided.gather [hbm4b:s20+s12], $0x1000, s11, s12, $0x38;
	[tilespmem:$0x1C600] =	vst v63  }
0xc1: {  	v5 =	vld [tilespmem:$0x0];
	_ =	sdelay $0x1  }
0xc2: {  	v6 =	vld [tilespmem:$0x200];
	_ =	sdelay $0x2  }
0xc3: {  	v7 =	vsel vm10, $0x0, v5  }
0xc4: {  	v7 =	vxor.u32 $0x80000000, v7  }
0xc5: {  	(xrf0) =	vmax.scan.msk.u32 $0xffff, v7;
	v7 =	vsel vm10, $0x0, v6  }
0xc6: {  	v7 =	vxor.u32 $0x80000000, v7  }
0xc7: {  	(xrf0) =	vmax.scan.msk.u32 $0xffff, v7;
	_ =	sdelay $0x1  }
0xc8: {  	v5 =	vsel vm11, $0x0, v5  }
0xc9: {  	v5 =	vxor.u32 $0x80000000, v5  }
0xca: {  	v7, _, _ =	vpop (xrf0)  }
0xcb: {  	(xrf0) =	vmax.scan.msk.u32 $0xffff, v5;
	(v2sf) =	vpush v7, $0xF  }
0xcc: {  	v5, _, _ =	vpop (xrf0)  }
0xcd: {  	v6 =	vsel vm11, $0x0, v6;
	(v2sf) =	vpush v5, $0xF  }
0xce: {  	v5 =	vxor.u32 $0x80000000, v6  }
0xcf: {  	(xrf0) =	vmax.scan.msk.u32 $0xffff, v5;
	_ =	sdelay $0x1  }
0xd0: {  	v5, _, _ =	vpop (xrf0)  }
0xd1: {  	(v2sf) =	vpush v5, $0xF;
	_ =	sdelay $0x2  }
0xd2: {  	v5, _, _ =	vpop (xrf0)  }
0xd3: {  	(v2sf) =	vpush v5, $0xF;
	_ =	sdelay $0x3  }
0xd4: {  	s25 =	spop (v2sf)  }
0xd5: {  	s20 =	sand.u32 $0x1FFFFF80, s25  }
0xd6: {  	s20 =	sadd.s32 s1, s20;
	s26 =	spop (v2sf)  }
0xd7: {  	[tilespmem:s3], [sflag:$0x1] =	stream.strided.gather [hbm4b:s20+s12], $0x1000, s11, s12, $0x38;
	[tilespmem:$0x1C600] =	vst v63  }
0xd8: {  	s20 =	sand.u32 $0x1FFFFF80, s26  }
0xd9: {  	s20 =	sadd.s32 s2, s20  }
0xda: {  	[tilespmem:s10], [sflag:$0x2] =	stream.strided.gather [hbm4b:s20+s12], $0x1000, s11, s12, $0x38;
	[tilespmem:$0x1C600] =	vst v63  }
0xdb: {  	s28 =	spop (v2sf)  }
0xdc: {  	s20 =	sand.u32 $0x1FFFFF80, s28  }
0xdd: {  	s20 =	sadd.s32 s1, s20  }
0xde: {  	[tilespmem:s14], [sflag:$0x1] =	stream.strided.gather [hbm4b:s20+s12], $0x1000, s11, s12, $0x38;
	[tilespmem:$0x1C600] =	vst v63  }
0xdf: {  	s29 =	spop (v2sf)  }
0xe0: {  	s20 =	sand.u32 $0x1FFFFF80, s29  }
0xe1: {  	s20 =	sadd.s32 s2, s20  }
0xe2: {  	[tilespmem:s15], [sflag:$0x2] =	stream.strided.gather [hbm4b:s20+s12], $0x1000, s11, s12, $0x38;
	[tilespmem:$0x1C600] =	vst v63  }
0xe3: {  	p0 =	por $0x0, $0x0;
	s20 =	simm.s32 $0xC  }
0xe4: {  	s21 =	sand.u32 @!p0 $0x3F0, s20  }
0xe5: {  	v5 =	vld @!p0 [tilespmem:s21+$0x0];
	_ =	sdelay $0x2  }
0xe6: {  	s22 =	sand.u32 @!p0 $0xE, s20  }
0xe7: {  	v7 =	vlaneseq.u32 @!p0;
	v6 =	vmov @!p0 s22;
	v8 =	vld @!p0 [tilespmem:s21+$0x200]  }
0xe8: {  	vm12 =	veq.s32 @!p0 v6, v7;
	v5 =	vxor.u32 @!p0 $0x80000000, v5  }
0xe9: {  	v6 =	vnsel @!p0 vm12, $0x80000000, v5  }
0xea: {  	(xrf0) =	vmax.scan.msk.u32 @!p0 $0xffff, v6;
	_ =	sdelay $0x1  }
0xeb: {  	v6 =	vxor.u32 @!p0 $0x80000000, v8  }
0xec: {  	v8 =	vnsel @!p0 vm12, $0x80000000, v6  }
0xed: {  	s21 =	sor.u32 @!p0 $0x1, s22;
	(xrf0) =	vmax.scan.msk.u32 @!p0 $0xffff, v8  }
0xee: {  	v8 =	vmov @!p0 s21  }
0xef: {  	vm12 =	veq.s32 @!p0 v8, v7;
	v7, _, _ =	vpop @!p0 (xrf0)  }
0xf0: {  	v5 =	vnsel @!p0 vm12, $0x80000000, v5;
	(v2sf) =	vpush @!p0 v7, $0xF  }
0xf1: {  	(xrf0) =	vmax.scan.msk.u32 @!p0 $0xffff, v5  }
0xf2: {  	s21 =	simm.s32 @!p0 $0x6  }
0xf3: {  	s21 =	smul.u32 @!p0 $0x25, s21;
	v5, _, _ =	vpop @!p0 (xrf0)  }
0xf4: {  	v6 =	vnsel @!p0 vm12, $0x80000000, v6;
	(v2sf) =	vpush @!p0 v5, $0xF  }
0xf5: {  	s21 =	sshrl.u32 @!p0 s21, $0x8;
	(xrf0) =	vmax.scan.msk.u32 @!p0 $0xffff, v6  }
0xf6: {  	s22 =	ssub.s32 @!p0 $0x6, s21  }
0xf7: {  	s22 =	sand.u32 @!p0 $0xFE, s22;
	v5, _, _ =	vpop @!p0 (xrf0)  }
0xf8: {  	s22 =	sshrl.u32 @!p0 s22, $0x1;
	(v2sf) =	vpush @!p0 v5, $0xF  }
0xf9: {  	s21 =	sadd.s32 @!p0 s21, s22  }
0xfa: {  	s21 =	sand.u32 @!p0 $0xFC, s21  }
0xfb: {  	s21 =	sshrl.u32 @!p0 s21, $0x2;
	v5, _, _ =	vpop @!p0 (xrf0)  }
0xfc: {  	s21 =	smul.u32 @!p0 $0x7, s21;
	(v2sf) =	vpush @!p0 v5, $0xF;
	_ =	sdelay $0x1  }
0xfd: {  	s21 =	ssub.s32 @!p0 $0x6, s21  }
0xfe: {  	s24 =	simm.s32 @!p0 $0x7A1400;
	s21 =	sand.u32 @!p0 $0xFF, s21;
	s22 =	spop @!p0 (v2sf)  }
0xff: {  	s21 =	sshll.u32 @!p0 s21, $0xD;
	s22 =	sand.u32 @!p0 $0x1FFFFF80, s22  }
0x100: {  	s25 =	simm.s32 @!p0 $0x400;
	s23 =	sor.u32 @!p0 $0x400, s21;
	s22 =	sadd.s32 @!p0 s1, s22  }
0x101: {  	[tilespmem:s23], [sflag:$0x1] =	stream.strided.gather @!p0 [hbm4b:s22+s25], $0x1000, s24, s25, $0x38;
	[tilespmem:$0x1C600] =	vst v63  }
0x102: {  	s22 =	spop @!p0 (v2sf)  }
0x103: {  	s22 =	sand.u32 @!p0 $0x1FFFFF80, s22  }
0x104: {  	s23 =	sadd.s32 @!p0 $0xE400, s21;
	s22 =	sadd.s32 @!p0 s2, s22  }
0x105: {  	[tilespmem:s23], [sflag:$0x2] =	stream.strided.gather @!p0 [hbm4b:s22+s25], $0x1000, s24, s25, $0x38;
	[tilespmem:$0x1C600] =	vst v63  }
0x106: {  	s22 =	spop @!p0 (v2sf)  }
0x107: {  	s22 =	sand.u32 @!p0 $0x1FFFFF80, s22  }
0x108: {  	s23 =	sor.u32 @!p0 $0x1400, s21;
	s22 =	sadd.s32 @!p0 s1, s22  }
0x109: {  	[tilespmem:s23], [sflag:$0x1] =	stream.strided.gather @!p0 [hbm4b:s22+s25], $0x1000, s24, s25, $0x38;
	[tilespmem:$0x1C600] =	vst v63  }
0x10a: {  	s22 =	spop @!p0 (v2sf)  }
0x10b: {  	s22 =	sand.u32 @!p0 $0x1FFFFF80, s22  }
0x10c: {  	s21 =	sadd.s32 @!p0 $0xF400, s21;
	s22 =	sadd.s32 @!p0 s2, s22  }
0x10d: {  	[tilespmem:s21], [sflag:$0x2] =	stream.strided.gather @!p0 [hbm4b:s22+s25], $0x1000, s24, s25, $0x38;
	[tilespmem:$0x1C600] =	vst v63  }
0x10e: {  	_ =	swait.ge [sflag:s16], $0x1000  }
0x10f: {  	[sflag:s16] =	ssyncset.done $0x0  }
0x110: {  	[sflag:s16] =	ssyncadd.s32 $0xFFFFF000  }
0x111: {  	_ =	swait.ge [sflag:s17], $0x1000  }
0x112: {  	[sflag:s17] =	ssyncset.done $0x0  }
0x113: {  	[sflag:s17] =	ssyncadd.s32 $0xFFFFF000  }
0x114: {  	_ =	swait.ge [sflag:s16], $0x1000  }
0x115: {  	[sflag:s16] =	ssyncset.done $0x0  }
0x116: {  	[sflag:s16] =	ssyncadd.s32 $0xFFFFF000  }
0x117: {  	_ =	swait.ge [sflag:s17], $0x1000  }
0x118: {  	s30 =	simm.s32 $0x0;
	[sflag:s17] =	ssyncset.done $0x0  }
0x119: {  	s31 =	sand.u32 $0x1F0, s30;
	[sflag:s17] =	ssyncadd.s32 $0xFFFFF000  }
0x11a: {  	v5 =	vld [tilespmem:s31+$0x0]  }
0x11b: {  	v6 =	vld [tilespmem:s31+$0x200];
	_ =	sdelay $0x1  }
0x11c: {  	s0 =	sand.u32 $0xE, s30  }
0x11d: {  	v7 =	vmov s0  }
0x11e: {  	vm12 =	veq.s32 v7, v0;
	v5 =	vxor.u32 $0x80000000, v5  }
0x11f: {  	v6 =	vxor.u32 $0x80000000, v6;
	v7 =	vnsel vm12, $0x80000000, v5  }
0x120: {  	v55 =	vnsel vm12, $0x80000000, v6;
	(xrf0) =	vmax.scan.msk.u32 $0xffff, v7  }
0x121: {  	(xrf0) =	vmax.scan.msk.u32 $0xffff, v55;
	_ =	sdelay $0x4  }
0x122: {  	v7, _, _ =	vpop (xrf0)  }
0x123: {  	(v2sf) =	vpush v7, $0xF;
	v7, _, _ =	vpop (xrf0)  }
0x124: {  	(v2sf) =	vpush v7, $0xF  }
0x125: {  	s24 =	smul.u32 $0x25, s4;
	_ =	sdelay $0x1  }
0x126: {  	s23 =	sshrl.u32 s24, $0x8  }
0x127: {  	s25 =	ssub.s32 $0x0, s23  }
0x128: {  	s24 =	sand.u32 $0xFE, s25  }
0x129: {  	s24 =	sshrl.u32 s24, $0x1  }
0x12a: {  	s23 =	sadd.s32 s23, s24  }
0x12b: {  	s23 =	sand.u32 $0xFC, s23  }
0x12c: {  	s23 =	sshrl.u32 s23, $0x2  }
0x12d: {  	s23 =	smul.u32 $0x7, s23;
	_ =	sdelay $0x1  }
0x12e: {  	s23 =	ssub.s32 $0x0, s23  }
0x12f: {  	s23 =	sand.u32 $0xFF, s23  }
0x130: {  	s23 =	sshll.u32 s23, $0xD;
	s26 =	spop (v2sf)  }
0x131: {  	v7 =	vor.u32 s23, v1;
	s24 =	sand.u32 $0x7F, s26;
	s28 =	spop (v2sf)  }
0x132: {  	s22 =	sor.u32 $0x1, s0;
	s25 =	sand.u32 $0x7F, s28;
	v56 =	vor.u32 s24, v7  }
0x133: {  	v9 =	vmov s22;
	v10 =	vor.u32 s23, v2;
	v7 =	vor.u32 s25, v7  }
0x134: {  	vm12 =	veq.s32 v9, v0;
	v11 =	vor.u32 s24, v10  }
0x135: {  	v6 =	vnsel vm12, $0x80000000, v6;
	v57 =	vor.u32 s25, v10  }
0x136: {  	(xrf0) =	vmax.scan.msk.u32 $0xffff, v6  }
0x137: {  	v5 =	vnsel vm12, $0x80000000, v5;
	v6 =	vld.idx.msk [tilespmem:v56+s12+$0x0], $0xffff  }
0x138: {  	(xrf0) =	vmax.scan.msk.u32 $0xffff, v5;
	v5 =	vld.idx.msk [tilespmem:v7+s13+$0x0], $0xffff  }
0x139: {  	v7 =	vld.idx.msk [tilespmem:v11+s12+$0x0], $0xffff  }
0x13a: {  	v58 =	vld.idx.msk [tilespmem:v57+s13+$0x0], $0xffff;
	_ =	sdelay $0x1  }
0x13b: {  	v59, _, _ =	vpop (xrf0)  }
0x13c: {  	(v2sf) =	vpush v59, $0xF  }
0x13d: {  	v60, _, _ =	vpop (xrf0)  }
0x13e: {  	(v2sf) =	vpush v60, $0xF;
	v5 =	vmul.f32 v5, v6;
	v6 =	vmul.f32 v58, v7;
	_ =	sdelay $0x1  }
0x13f: {  	v5 =	vadd.f32 v6, v5;
	_ =	sdelay $0x1  }
0x140: {  	(xrf2) =	vadd.scan.msk.f32 $0xffff, v5;
	_ =	sdelay $0x6  }
0x141: {  	v5 =	vmov s30  }
0x142: {  	v5 =	vand.u32 $0xFFFFFFFE, v5  }
0x143: {  	s29 =	spop (v2sf);
	v5 =	vbroadcast v5, $0x0  }
0x144: {  	v6 =	vor.u32 s23, v4;
	s21 =	sand.u32 $0x7F, s29;
	v7, _, _ =	vpop (xrf2)  }
0x145: {  	v61 =	vor.u32 s23, v3;
	s30 =	spop (v2sf);
	v62 =	vor.u32 s21, v6;
	v7 =	vadd.f32 $0.0e+00, v7  }
0x146: {  	v63 =	vor.u32 s21, v61;
	s31 =	sand.u32 $0x7F, s30  }
0x147: {  	v8 =	vor.u32 s31, v61;
	v7 =	vbroadcast v7, $0xF  }
0x148: {  	v6 =	vor.u32 s31, v6  }
0x149: {  	[tilespmem:v5+s18+$0x0] =	vst.idx.msk $0x1, v7  }
0x14a: {  	v5 =	vld.idx.msk [tilespmem:v62+s13+$0x0], $0xffff  }
0x14b: {  	v7 =	vld.idx.msk [tilespmem:v63+s13+$0x0], $0xffff  }
0x14c: {  	v8 =	vld.idx.msk [tilespmem:v8+s12+$0x0], $0xffff  }
0x14d: {  	v6 =	vld.idx.msk [tilespmem:v6+s12+$0x0], $0xffff;
	_ =	sdelay $0x4  }
0x14e: {  	v7 =	vmul.f32 v7, v8;
	v5 =	vmul.f32 v5, v6;
	_ =	sdelay $0x1  }
0x14f: {  	v5 =	vadd.f32 v5, v7;
	_ =	sdelay $0x1  }
0x150: {  	s21 =	simm.s32 $0x1;
	(xrf2) =	vadd.scan.msk.f32 $0xffff, v5  }
.LBB2_2:
0x151: {  	_ =	sdelay $0x5  }
0x152: {  	s23 =	sadd.s32 $0xFFFFFFF5, s20  }
0x153: {  	s20 =	sadd.s32 $0x2, s20;
	s22 =	smov.u32 s21;
	s21 =	sadd.s32 $0x1, s21  }
0x154: {  	p0 =	sne.s32 s21, $0x100;
	v5 =	vmov s23  }
0x155: {  	v6, _, _ =	vpop (xrf2)  }
0x156: {  	v6 =	vadd.f32 $0.0e+00, v6;
	_ =	sdelay $0x1  }
0x157: {  	p1 =	sgt.u32 s22, $0xF9;
	v6 =	vbroadcast v6, $0xF  }
0x158: {  	s23 =	sadd.s32 @!p1 $0x6, s22;
	s24 =	sand.u32 @!p1 $0x3F0, s20;
	s25 =	sand.u32 @!p1 $0xE, s20  }
0x159: {  	s26 =	smul.u32 @!p1 $0x25, s23;
	v7 =	vmov @!p1 s25;
	s25 =	sor.u32 @!p1 $0x1, s25;
	[tilespmem:v5+s18+$0x0] =	vst.idx.msk $0x1, v6  }
0x15a: {  	v8 =	vmov @!p1 s25;
	v6 =	vlaneseq.u32 @!p1;
	v5 =	vld @!p1 [tilespmem:s24+$0x0]  }
0x15b: {  	vm12 =	veq.s32 @!p1 v8, v6;
	v9 =	vld @!p1 [tilespmem:s24+$0x200];
	s24 =	sshrl.u32 @!p1 s26, $0x8  }
0x15c: {  	s25 =	ssub.s32 @!p1 s23, s24  }
0x15d: {  	s25 =	sand.u32 @!p1 $0xFE, s25  }
0x15e: {  	s25 =	sshrl.u32 @!p1 s25, $0x1  }
0x15f: {  	vm13 =	veq.s32 @!p1 v7, v6;
	s24 =	sadd.s32 @!p1 s24, s25;
	v5 =	vxor.u32 @!p1 $0x80000000, v5  }
0x160: {  	s24 =	sand.u32 @!p1 $0xFC, s24;
	v6 =	vnsel @!p1 vm13, $0x80000000, v5;
	v7 =	vxor.u32 @!p1 $0x80000000, v9;
	v5 =	vnsel @!p1 vm12, $0x80000000, v5  }
0x161: {  	s24 =	sshrl.u32 @!p1 s24, $0x2;
	v8 =	vnsel @!p1 vm13, $0x80000000, v7;
	v7 =	vnsel @!p1 vm12, $0x80000000, v7;
	(xrf0) =	vmax.scan.msk.u32 @!p1 $0xffff, v6  }
0x162: {  	s24 =	smul.u32 @!p1 $0x7, s24;
	(xrf0) =	vmax.scan.msk.u32 @!p1 $0xffff, v8  }
0x163: {  	(xrf0) =	vmax.scan.msk.u32 @!p1 $0xffff, v5  }
0x164: {  	s23 =	ssub.s32 @!p1 s23, s24;
	(xrf0) =	vmax.scan.msk.u32 @!p1 $0xffff, v7  }
0x165: {  	s23 =	sand.u32 @!p1 $0xFF, s23  }
0x166: {  	s23 =	sshll.u32 @!p1 s23, $0xD  }
0x167: {  	s24 =	sor.u32 @!p1 $0x400, s23;
	s25 =	sadd.s32 @!p1 $0xE400, s23;
	s26 =	sor.u32 @!p1 $0x1400, s23;
	v5, _, _ =	vpop @!p1 (xrf0)  }
0x168: {  	s23 =	sadd.s32 @!p1 $0xF400, s23;
	(v2sf) =	vpush @!p1 v5, $0xF;
	v5, _, _ =	vpop @!p1 (xrf0)  }
0x169: {  	(v2sf) =	vpush @!p1 v5, $0xF;
	v5, _, _ =	vpop @!p1 (xrf0)  }
0x16a: {  	(v2sf) =	vpush @!p1 v5, $0xF;
	v5, _, _ =	vpop @!p1 (xrf0);
	_ =	sdelay $0x1  }
0x16b: {  	(v2sf) =	vpush @!p1 v5, $0xF;
	_ =	sdelay $0xa  }
0x16c: {  	s28 =	simm.s32 @!p1 $0x7A1400;
	s29 =	spop @!p1 (v2sf)  }
0x16d: {  	s30 =	simm.s32 @!p1 $0x400;
	s29 =	sand.u32 @!p1 $0x1FFFFF80, s29;
	s31 =	spop @!p1 (v2sf)  }
0x16e: {  	s29 =	sadd.s32 @!p1 s1, s29;
	s31 =	sand.u32 @!p1 $0x1FFFFF80, s31;
	s0 =	spop @!p1 (v2sf)  }
0x16f: {  	[tilespmem:s24], [sflag:$0x1] =	stream.strided.gather @!p1 [hbm4b:s29+s30], $0x1000, s28, s30, $0x38;
	[tilespmem:$0x1C600] =	vst v63  }
0x170: {  	s24 =	sadd.s32 @!p1 s2, s31;
	s0 =	sand.u32 @!p1 $0x1FFFFF80, s0;
	s29 =	spop @!p1 (v2sf)  }
0x171: {  	[tilespmem:s25], [sflag:$0x2] =	stream.strided.gather @!p1 [hbm4b:s24+s30], $0x1000, s28, s30, $0x38;
	[tilespmem:$0x1C600] =	vst v63  }
0x172: {  	s0 =	sadd.s32 @!p1 s1, s0;
	s24 =	sand.u32 @!p1 $0x1FFFFF80, s29  }
0x173: {  	[tilespmem:s26], [sflag:$0x1] =	stream.strided.gather @!p1 [hbm4b:s0+s30], $0x1000, s28, s30, $0x38;
	[tilespmem:$0x1C600] =	vst v63  }
0x174: {  	s0 =	sadd.s32 @!p1 s2, s24  }
0x175: {  	[tilespmem:s23], [sflag:$0x2] =	stream.strided.gather @!p1 [hbm4b:s0+s30], $0x1000, s28, s30, $0x38;
	[tilespmem:$0x1C600] =	vst v63  }
0x176: {  	_ =	swait.ge [sflag:s16], $0x1000  }
0x177: {  	[sflag:s16] =	ssyncset.done $0x0  }
0x178: {  	[sflag:s16] =	ssyncadd.s32 $0xFFFFF000  }
0x179: {  	_ =	swait.ge [sflag:s17], $0x1000  }
0x17a: {  	[sflag:s17] =	ssyncset.done $0x0  }
0x17b: {  	[sflag:s17] =	ssyncadd.s32 $0xFFFFF000  }
0x17c: {  	_ =	swait.ge [sflag:s16], $0x1000  }
0x17d: {  	[sflag:s16] =	ssyncset.done $0x0  }
0x17e: {  	[sflag:s16] =	ssyncadd.s32 $0xFFFFF000  }
0x17f: {  	_ =	swait.ge [sflag:s17], $0x1000  }
0x180: {  	s0 =	sadd.s32 $0xFFFFFFF4, s20;
	[sflag:s17] =	ssyncset.done $0x0  }
0x181: {  	s23 =	sand.u32 $0x1F0, s0;
	s24 =	sand.u32 $0xE, s0;
	v5 =	vmov s0;
	[sflag:s17] =	ssyncadd.s32 $0xFFFFF000  }
0x182: {  	v7 =	vmov s24;
	v5 =	vand.u32 $0xFFFFFFFE, v5;
	s0 =	sor.u32 $0x1, s24;
	v6 =	vld [tilespmem:s23+$0x0]  }
0x183: {  	v8 =	vld [tilespmem:s23+$0x200];
	_ =	sdelay $0x2  }
0x184: {  	v9 =	vmov s0  }
0x185: {  	vm12 =	veq.s32 v7, v0;
	vm13 =	veq.s32 v9, v0;
	v6 =	vxor.u32 $0x80000000, v6  }
0x186: {  	v7 =	vnsel vm12, $0x80000000, v6;
	v8 =	vxor.u32 $0x80000000, v8;
	v6 =	vnsel vm13, $0x80000000, v6  }
0x187: {  	v9 =	vnsel vm12, $0x80000000, v8;
	v8 =	vnsel vm13, $0x80000000, v8;
	(xrf0) =	vmax.scan.msk.u32 $0xffff, v7  }
0x188: {  	(xrf0) =	vmax.scan.msk.u32 $0xffff, v9  }
0x189: {  	(xrf0) =	vmax.scan.msk.u32 $0xffff, v8  }
0x18a: {  	(xrf0) =	vmax.scan.msk.u32 $0xffff, v6;
	_ =	sdelay $0x2  }
0x18b: {  	v6, _, _ =	vpop (xrf0)  }
0x18c: {  	(v2sf) =	vpush v6, $0xF;
	v6, _, _ =	vpop (xrf0)  }
0x18d: {  	(v2sf) =	vpush v6, $0xF;
	v6, _, _ =	vpop (xrf0)  }
0x18e: {  	s0 =	smul.u32 $0x25, s22;
	v7, _, _ =	vpop (xrf0);
	(v2sf) =	vpush v6, $0xF  }
0x18f: {  	(v2sf) =	vpush v7, $0xF  }
0x190: {  	s0 =	sshrl.u32 s0, $0x8  }
0x191: {  	s23 =	ssub.s32 s22, s0  }
0x192: {  	s23 =	sand.u32 $0xFE, s23  }
0x193: {  	s23 =	sshrl.u32 s23, $0x1  }
0x194: {  	s0 =	sadd.s32 s0, s23  }
0x195: {  	s0 =	sand.u32 $0xFC, s0  }
0x196: {  	s0 =	sshrl.u32 s0, $0x2  }
0x197: {  	s0 =	smul.u32 $0x7, s0;
	_ =	sdelay $0x1  }
0x198: {  	s0 =	ssub.s32 s22, s0  }
0x199: {  	s0 =	sand.u32 $0xFF, s0  }
0x19a: {  	s0 =	sshll.u32 s0, $0xD;
	s22 =	spop (v2sf)  }
0x19b: {  	v6 =	vor.u32 s0, v1;
	v7 =	vor.u32 s0, v2;
	s22 =	sand.u32 $0x7F, s22;
	s23 =	spop (v2sf)  }
0x19c: {  	s23 =	sand.u32 $0x7F, s23;
	v8 =	vor.u32 s22, v6;
	v9 =	vor.u32 s22, v7;
	s22 =	spop (v2sf)  }
0x19d: {  	v6 =	vor.u32 s23, v6;
	v7 =	vor.u32 s23, v7;
	s22 =	sand.u32 $0x7F, s22;
	s23 =	spop (v2sf)  }
0x19e: {  	s23 =	sand.u32 $0x7F, s23;
	_ =	sdelay $0x2  }
0x19f: {  	v8 =	vld.idx.msk [tilespmem:v8+s12+$0x0], $0xffff  }
0x1a0: {  	v6 =	vld.idx.msk [tilespmem:v6+s13+$0x0], $0xffff  }
0x1a1: {  	v9 =	vld.idx.msk [tilespmem:v9+s12+$0x0], $0xffff  }
0x1a2: {  	v7 =	vld.idx.msk [tilespmem:v7+s13+$0x0], $0xffff;
	_ =	sdelay $0x3  }
0x1a3: {  	v6 =	vmul.f32 v6, v8;
	_ =	sdelay $0x1  }
0x1a4: {  	v7 =	vmul.f32 v7, v9;
	_ =	sdelay $0x1  }
0x1a5: {  	v6 =	vadd.f32 v7, v6;
	_ =	sdelay $0x1  }
0x1a6: {  	(xrf2) =	vadd.scan.msk.f32 $0xffff, v6;
	_ =	sdelay $0x8  }
0x1a7: {  	v5 =	vbroadcast v5, $0x0  }
0x1a8: {  	v6 =	vor.u32 s0, v4;
	v7, _, _ =	vpop (xrf2)  }
0x1a9: {  	v8 =	vor.u32 s0, v3;
	v9 =	vor.u32 s22, v6;
	v7 =	vadd.f32 $0.0e+00, v7  }
0x1aa: {  	v10 =	vor.u32 s22, v8  }
0x1ab: {  	v8 =	vor.u32 s23, v8;
	v6 =	vor.u32 s23, v6;
	v7 =	vbroadcast v7, $0xF;
	_ =	sdelay $0x1  }
0x1ac: {  	[tilespmem:v5+s18+$0x0] =	vst.idx.msk $0x1, v7  }
0x1ad: {  	v5 =	vld.idx.msk [tilespmem:v9+s13+$0x0], $0xffff  }
0x1ae: {  	v7 =	vld.idx.msk [tilespmem:v10+s13+$0x0], $0xffff  }
0x1af: {  	v8 =	vld.idx.msk [tilespmem:v8+s12+$0x0], $0xffff  }
0x1b0: {  	v6 =	vld.idx.msk [tilespmem:v6+s12+$0x0], $0xffff;
	_ =	sdelay $0x4  }
0x1b1: {  	v7 =	vmul.f32 v7, v8  }
.Ltmp0:
0x1b2: {  	v5 =	vmul.f32 v5, v6;
	(pc) =	sbr.rel @p0 .LBB2_2-.Ltmp0, $3  }
0x1b3: {  	_ = 	snop  }
0x1b4: {  	v5 =	vadd.f32 v5, v7;
	_ =	sdelay $0x1  }
0x1b5: {  	(xrf2) =	vadd.scan.msk.f32 $0xffff, v5  }
0x1b6: {  	_ =	sdelay $0x7  }
0x1b7: {  	s0 =	sadd.s32 $0xFFFFFFF5, s20  }
0x1b8: {  	v5 =	vmov s0;
	v6, _, _ =	vpop (xrf2)  }
0x1b9: {  	v6 =	vadd.f32 $0.0e+00, v6;
	_ =	sdelay $0x1  }
0x1ba: {  	s19 =	sadd.s32 $0x1, s19;
	v6 =	vbroadcast v6, $0xF  }
0x1bb: {  	p0 =	sne.s32 s19, s8  }
.Ltmp1:
0x1bc: {  	[tilespmem:v5+s18+$0x0] =	vst.idx.msk $0x1, v6;
	(pc) =	sbr.rel @p0 .LBB2_1-.Ltmp1, $4  }
0x1bd: {  	[hbm4b:s7+s4] =	stream.linear.scatter [tilespmem:s18], [sflag:$0x3], $0x200, $0x38;
	[tilespmem:$0x1C600] =	vst v63  }
0x1be: {  	_ =	swait.ge [sflag:s9], $0x200  }
0x1bf: {  	[sflag:s9] =	ssyncset.done $0x0  }
0x1c0: {  	[sflag:s9] =	ssyncadd.s32 $0xFFFFFE00  }
0x1c1: {  	_ =	sfence.sel $0x180000  }
0x1c2: {  	[bflag:$0x0] =	sbarrier.arrive $0xFFFF  }
0x1c3: {  	_ =	strace $0x90000047  }
0x1c4: {  	s0 =	stileid.u32;
	[bflag:$0x2] =	sbarrier.arrive $0xFFFF  }
0x1c5: {  	p0 =	sne.s32 s0, $0x0;
	s0 =	rddreg [dreg:$0x5]  }
0x1c6: {  	s0 =	sadd.s32 @!p0 $0x100000, s0  }
0x1c7: {  	[sflag:s0] =	ssyncadd.tile.s32 @!p0 $0x1;
	_ =	shalt  }
.Lfunc_end2:
_tile_overlayer_lowered:
.L_overlay_start_2:
0x1c8: {  	(tag) =	ssettag $0x2  }
0x1c9: {  	s0 =	rddreg [dreg:$0x0];
	s2 =	stileid.u32  }
0x1ca: {  	s1 =	rddreg [dreg:$0x1];
	p0 =	sne.s32 s2, $0x0  }
0x1cb: {  	s3 =	rddreg [dreg:$0x2];
	[bflag:$0x3] =	sbarrier.arrive $0xFFFF;
	s2 =	simm.s32 @!p0 $0x1C03  }
0x1cc: {  	[timem:s3], [sflag:s2] =	dma.local @!p0 [hbm:s0], s1  }
0x1cd: {  	s0 =	simm.s32 @!p0 $0x3  }
0x1ce: {  	_ =	swait.ge @!p0 [sflag:s0], s1  }
0x1cf: {  	s1 =	ssub.s32 @!p0 $0x0, s1;
	[sflag:s0] =	ssyncset.done @!p0 $0x0  }
0x1d0: {  	[sflag:s0] =	ssyncadd.s32 @!p0 s1  }
0x1d1: {  	[bflag:$0x3] =	sbarrier.arrive $0xFFFF  }
0x1d2: {  	_ =	shalt  }

</sc_bundles>
